<compile_context>
chip_gen: v7x
topology: tpu7x:2x2x1
jax: 0.10.2.dev20260603
libtpu: 0.0.44.dev20260713+nightly
codegen_flags: <defaults>
</compile_context>

<pallas_src>
import functools

import jax
import jax.numpy as jnp
from jax import lax
from jax.experimental import pallas as pl
from jax.experimental.pallas import tpu as pltpu
from jax.experimental.pallas import tpu_sc as plsc

_N = 10000
_E = 320000
_NS = 16
_NP = 10240
_NT = _NP // _NS
_EPT = _E // _NS
_EH = _EPT // 2
_ORT = _NP // 32
_ORC = 80
_D = 64

_mesh = plsc.VectorSubcoreMesh(core_axis_name="c", subcore_axis_name="s")


def _rsqrt_newton(d):
    i = plsc.bitcast(d, jnp.int32)
    i = 0x5F3759DF - (i >> 1)
    y = plsc.bitcast(i, jnp.float32)
    for _ in range(4):
        y = y * (1.5 - 0.5 * d * y * y)
    return y


@functools.partial(
    pl.kernel,
    out_type=jax.ShapeDtypeStruct((_N, _D), jnp.float32),
    mesh=_mesh,
    compiler_params=pltpu.CompilerParams(
        needs_layout_passes=False, use_tc_tiling_on_sc=False),
    scratch_types=[
        pltpu.VMEM((_EH,), jnp.int32),
        pltpu.VMEM((_EH,), jnp.int32),
        pltpu.VMEM((_EH,), jnp.int32),
        pltpu.VMEM((_EH,), jnp.int32),
        pltpu.VMEM((_EH,), jnp.float32),
        pltpu.VMEM((_EH,), jnp.float32),
        pltpu.VMEM((_NT,), jnp.float32),
        pltpu.VMEM((_NT,), jnp.float32),
        pltpu.VMEM((_NT,), jnp.float32),
        pltpu.VMEM((_NT,), jnp.float32),
        pltpu.VMEM((128,), jnp.float32),
        pltpu.VMEM((128, _D), jnp.float32),
        pltpu.VMEM((_D,), jnp.float32),
        pltpu.VMEM((_NP,), jnp.float32),
        pltpu.VMEM((_ORC, _D), jnp.float32),
        pltpu.VMEM_SHARED((_NP,), jnp.float32),
        pltpu.VMEM_SHARED((_NP,), jnp.float32),
        pltpu.VMEM_SHARED((_NP,), jnp.float32),
        pltpu.VMEM_SHARED((_NP,), jnp.float32),
        pltpu.VMEM_SHARED((_NP,), jnp.float32),
        pltpu.SemaphoreType.DMA,
        pltpu.SemaphoreType.DMA,
        pltpu.SemaphoreType.DMA,
        pltpu.SemaphoreType.DMA,
    ],
)
def _gcn_sc(ei_h, w1_h, w2_h, b2_h, out_h,
            es1, es2, ed1, ed2, vals1, vals2, loc_a, dinv_b, gloc_b, slice_b,
            w1_b, w2_b, b2_b, nodebuf, orow,
            sh_out, sh_in, sh_g, sh_s1, sh_s2,
            sem0, sem1, sem2, sem3):
    cid = lax.axis_index("c")
    sid = lax.axis_index("s")
    nb = sid * _NT
    eb = sid * _EPT
    zero16 = jnp.zeros((16,), jnp.float32)
    one16 = jnp.ones((16,), jnp.float32)

    cp0 = pltpu.async_copy(ei_h.at[0, pl.ds(eb, _EH)], es1, sem0)
    cp1 = pltpu.async_copy(ei_h.at[0, pl.ds(eb + _EH, _EH)], es2, sem1)
    cp2 = pltpu.async_copy(ei_h.at[1, pl.ds(eb, _EH)], ed1, sem2)
    cp3 = pltpu.async_copy(ei_h.at[1, pl.ds(eb + _EH, _EH)], ed2, sem3)

    pltpu.sync_copy(w1_h, w1_b)
    pltpu.sync_copy(w2_h, w2_b)
    pltpu.sync_copy(b2_h, b2_b)

    def zb(i, carry):
        loc_a[pl.ds(i * 16, 16)] = zero16
        return carry
    lax.fori_loop(0, _NT // 16, zb, 0)
    pltpu.sync_copy(loc_a, sh_out.at[pl.ds(nb, _NT)])
    pltpu.sync_copy(loc_a, sh_in.at[pl.ds(nb, _NT)])
    pltpu.sync_copy(loc_a, sh_s1.at[pl.ds(nb, _NT)])
    pltpu.sync_copy(loc_a, sh_s2.at[pl.ds(nb, _NT)])

    def ob(i, carry):
        j = i * 80
        for u in range(5):
            vals1[pl.ds(j + u * 16, 16)] = one16
            vals2[pl.ds(j + u * 16, 16)] = one16
        return carry
    lax.fori_loop(0, _EH // 80, ob, 0)

    cp0.wait()
    cp1.wait()
    cp2.wait()
    cp3.wait()
    plsc.subcore_barrier()

    ca0 = pltpu.async_copy(vals1, sh_out.at[es1], sem0, add=True)
    ca1 = pltpu.async_copy(vals2, sh_out.at[es2], sem1, add=True)
    ca2 = pltpu.async_copy(vals1, sh_in.at[ed1], sem2, add=True)
    ca3 = pltpu.async_copy(vals2, sh_in.at[ed2], sem3, add=True)

    def vcomp(k, carry):
        v0, v1, v2, v3 = carry
        w1k = plsc.load_gather(w1_b, [jnp.full((16,), k, jnp.int32)])
        w1k = jnp.maximum(w1k, 0.0)
        v0 = v0 + w1k * w2_b[k, pl.ds(0, 16)]
        v1 = v1 + w1k * w2_b[k, pl.ds(16, 16)]
        v2 = v2 + w1k * w2_b[k, pl.ds(32, 16)]
        v3 = v3 + w1k * w2_b[k, pl.ds(48, 16)]
        return (v0, v1, v2, v3)
    v0, v1, v2, v3 = lax.fori_loop(0, 128, vcomp, (zero16, zero16, zero16, zero16))
    bb0 = b2_b[pl.ds(0, 16)]
    bb1 = b2_b[pl.ds(16, 16)]
    bb2 = b2_b[pl.ds(32, 16)]
    bb3 = b2_b[pl.ds(48, 16)]

    ca0.wait()
    ca1.wait()
    ca2.wait()
    ca3.wait()
    plsc.subcore_barrier()

    pltpu.sync_copy(sh_out.at[pl.ds(nb, _NT)], loc_a)
    pltpu.sync_copy(sh_in.at[pl.ds(nb, _NT)], slice_b)

    def red_deg(j, carry):
        deg = slice_b[pl.ds(j * 16, 16)] + 1.0
        dv = _rsqrt_newton(deg)
        dinv_b[pl.ds(j * 16, 16)] = dv
        gloc_b[pl.ds(j * 16, 16)] = dv * loc_a[pl.ds(j * 16, 16)]
        return carry
    lax.fori_loop(0, _NT // 16, red_deg, 0)

    pltpu.sync_copy(gloc_b, sh_g.at[pl.ds(nb, _NT)])
    plsc.subcore_barrier()

    def edge_round(sh_dst):
        pltpu.sync_copy(sh_g, nodebuf)

        def gloop(esx, valsx):
            def gb(i, carry):
                j = i * 16
                valsx[pl.ds(j, 16)] = plsc.load_gather(nodebuf, [esx[pl.ds(j, 16)]])
                return carry
            lax.fori_loop(0, _EH // 16, gb, 0)

        gloop(es1, vals1)
        cs1 = pltpu.async_copy(vals1, sh_dst.at[ed1], sem2, add=True)
        gloop(es2, vals2)
        cs1.wait()
        pltpu.sync_copy(vals2, sh_dst.at[ed2], add=True)
        plsc.subcore_barrier()

    edge_round(sh_s1)
    pltpu.sync_copy(sh_s1.at[pl.ds(nb, _NT)], loc_a)

    def red_b(j, carry):
        s1 = loc_a[pl.ds(j * 16, 16)]
        dv = dinv_b[pl.ds(j * 16, 16)]
        g = gloc_b[pl.ds(j * 16, 16)]
        aval = dv * (s1 + g)
        gloc_b[pl.ds(j * 16, 16)] = dv * aval
        return carry
    lax.fori_loop(0, _NT // 16, red_b, 0)

    pltpu.sync_copy(gloc_b, sh_g.at[pl.ds(nb, _NT)])
    plsc.subcore_barrier()

    edge_round(sh_s2)
    pltpu.sync_copy(sh_s2.at[pl.ds(nb, _NT)], loc_a)

    def red_c(j, carry):
        s2 = loc_a[pl.ds(j * 16, 16)]
        dv = dinv_b[pl.ds(j * 16, 16)]
        g2 = gloc_b[pl.ds(j * 16, 16)]
        slice_b[pl.ds(j * 16, 16)] = dv * (s2 + g2)
        return carry
    lax.fori_loop(0, _NT // 16, red_c, 0)

    orow0 = nb + cid * _ORT

    def oblk_loop(blk, carry):
        @pl.when(orow0 + blk * _ORC < _N)
        def _():
            def orow_loop(r, carry2):
                cb = plsc.load_gather(
                    slice_b,
                    [jnp.full((16,), cid * _ORT + blk * _ORC + r, jnp.int32)])
                orow[r, pl.ds(0, 16)] = jnp.maximum(cb * v0 + bb0, 0.0)
                orow[r, pl.ds(16, 16)] = jnp.maximum(cb * v1 + bb1, 0.0)
                orow[r, pl.ds(32, 16)] = jnp.maximum(cb * v2 + bb2, 0.0)
                orow[r, pl.ds(48, 16)] = jnp.maximum(cb * v3 + bb3, 0.0)
                return carry2
            lax.fori_loop(0, _ORC, orow_loop, 0)
            pltpu.sync_copy(orow, out_h.at[pl.ds(orow0 + blk * _ORC, _ORC), :])
        return carry
    lax.fori_loop(0, _ORT // _ORC, oblk_loop, 0)


def kernel(edge_index, W1, b1, W2, b2):
    del b1
    ei = edge_index.astype(jnp.int32)
    w1 = W1.reshape(128).astype(jnp.float32)
    return _gcn_sc(ei, w1, W2.astype(jnp.float32), b2.astype(jnp.float32))

# --- scband reference (transcript-rebuilt; emitter-appended) ---
"""Pipeline reference for scband-gnn-21801253995179 (READ-ONLY COPY).

The authoritative reference and input builder live on the scoring server;
editing this copy changes nothing except your own understanding.
"""

import jax, jax.numpy as jnp
import numpy as np

N = 10000
E = 320000


def gcn_conv(x, edge_index, W, b):
    # x: [N, d_in], edge_index: [2, E]
    x = x @ W  # [N, d_out]
    src = edge_index[0]
    dst = edge_index[1]
    # add self loops (GCNConv default add_self_loops=True, improved=False)
    loop = jnp.arange(N, dtype=src.dtype)
    src_full = jnp.concatenate([src, loop])
    dst_full = jnp.concatenate([dst, loop])
    ew = jnp.ones(src_full.shape[0], dtype=x.dtype)
    deg = jax.ops.segment_sum(ew, dst_full, num_segments=N)
    deg_inv_sqrt = jnp.where(deg > 0, jax.lax.rsqrt(jnp.maximum(deg, 1e-12)), 0.0)
    norm = deg_inv_sqrt[src_full] * deg_inv_sqrt[dst_full]
    msgs = x[src_full] * norm[:, None]
    out = jax.ops.segment_sum(msgs, dst_full, num_segments=N)
    return out + b


def setup_inputs(seed: int = 0) -> dict:
    key = jax.random.key(seed)
    k1, k2, k3, k4, k5 = jax.random.split(key, 5)
    edge_index = jax.random.randint(k1, (2, E), 0, N)
    W1 = jax.random.normal(k2, (1, 128), dtype=jnp.float32) * 0.1
    b1 = jnp.zeros((128,), dtype=jnp.float32)
    W2 = jax.random.normal(k3, (128, 64), dtype=jnp.float32) * 0.1
    b2 = jnp.zeros((64,), dtype=jnp.float32)
    return {"edge_index": edge_index, "W1": W1, "b1": b1, "W2": W2, "b2": b2}


def reference(edge_index, W1, b1, W2, b2):
    # x = out-degree of each node (degree(edge_index[0])), shape [N, 1]
    src = edge_index[0]
    deg_feat = jax.ops.segment_sum(jnp.ones(E, dtype=jnp.float32), src, num_segments=N)
    x = deg_feat.reshape(-1, 1)
    x = jax.nn.relu(gcn_conv(x, edge_index, W1, b1))
    x = jax.nn.relu(gcn_conv(x, edge_index, W2, b2))
    return x

if __name__ == "__main__":
    import jax
    _d = setup_inputs()
    print(jax.jit(kernel)(*tuple(_d.values())))

</pallas_src>

<mosaic_0001>
#map = affine_map<(d0, d1) -> (0, 0)>
#map1 = affine_map<(d0, d1) -> (0)>
module attributes {stable_mosaic.version = 14 : i64} {
  func.func @_gcn_sc(%arg0: i32, %arg1: i32, %arg2: memref<2x320000xi32, #tpu.memory_space<hbm>>, %arg3: memref<128xf32, #tpu.memory_space<hbm>>, %arg4: memref<128x64xf32, #tpu.memory_space<hbm>>, %arg5: memref<64xf32, #tpu.memory_space<hbm>>, %arg6: memref<10000x64xf32, #tpu.memory_space<hbm>>, %arg7: memref<10000xi32, #tpu.memory_space<vmem>>, %arg8: memref<10000xi32, #tpu.memory_space<vmem>>, %arg9: memref<10000xi32, #tpu.memory_space<vmem>>, %arg10: memref<10000xi32, #tpu.memory_space<vmem>>, %arg11: memref<10000xf32, #tpu.memory_space<vmem>>, %arg12: memref<10000xf32, #tpu.memory_space<vmem>>, %arg13: memref<640xf32, #tpu.memory_space<vmem>>, %arg14: memref<640xf32, #tpu.memory_space<vmem>>, %arg15: memref<640xf32, #tpu.memory_space<vmem>>, %arg16: memref<640xf32, #tpu.memory_space<vmem>>, %arg17: memref<128xf32, #tpu.memory_space<vmem>>, %arg18: memref<128x64xf32, #tpu.memory_space<vmem>>, %arg19: memref<64xf32, #tpu.memory_space<vmem>>, %arg20: memref<10240xf32, #tpu.memory_space<vmem>>, %arg21: memref<80x64xf32, #tpu.memory_space<vmem>>, %arg22: memref<10240xf32, #tpu.memory_space<vmem_shared>>, %arg23: memref<10240xf32, #tpu.memory_space<vmem_shared>>, %arg24: memref<10240xf32, #tpu.memory_space<vmem_shared>>, %arg25: memref<10240xf32, #tpu.memory_space<vmem_shared>>, %arg26: memref<10240xf32, #tpu.memory_space<vmem_shared>>, %arg27: memref<!tpu.dma_semaphore, #tpu.memory_space<semaphore_mem>>, %arg28: memref<!tpu.dma_semaphore, #tpu.memory_space<semaphore_mem>>, %arg29: memref<!tpu.dma_semaphore, #tpu.memory_space<semaphore_mem>>, %arg30: memref<!tpu.dma_semaphore, #tpu.memory_space<semaphore_mem>>) attributes {dimension_semantics = [#tpu.dimension_semantics<core_parallel>, #tpu.dimension_semantics<subcore_parallel>], iteration_bounds = array<i64: 2, 16>, scalar_prefetch = 0 : i64, scratch_operands = 24 : i64, tpu.core_type = #tpu.core_type<sc_vector_subcore>, window_params = [{transform_indices = #map}, {transform_indices = #map1}, {transform_indices = #map}, {transform_indices = #map1}, {transform_indices = #map}]} {
    %mul3A = arith.constant 640 : i32
    %mul3A_0 = arith.muli %arg1, %mul3A : i32
    %mul3A_1 = arith.constant 20000 : i32
    %mul3A_2 = arith.muli %arg1, %mul3A_1 : i32
    %broadcast_in_dim3A = arith.constant 0.000000e+00 : f32
    %broadcast_in_dim3A_3 = vector.broadcast %broadcast_in_dim3A : f32 to vector<16xf32>
    %broadcast_in_dim3A_4 = arith.constant 1.000000e+00 : f32
    %broadcast_in_dim3A_5 = vector.broadcast %broadcast_in_dim3A_4 : f32 to vector<16xf32>
    %dma_start3A = arith.constant 0 : i32
    %dma_start3A_6 = tpu.memref_slice %arg2[%dma_start3A, %mul3A_2] : memref<2x320000xi32, #tpu.memory_space<hbm>> -> memref<1x10000xi32, #tpu.memory_space<hbm>>
    %dma_start3A_7 = tpu.memref_squeeze %dma_start3A_6 : memref<1x10000xi32, #tpu.memory_space<hbm>> -> memref<10000xi32, #tpu.memory_space<hbm>>
    %dma_start3A_8 = tpu.memref_slice %arg2[%dma_start3A, %mul3A_2] : memref<2x320000xi32, #tpu.memory_space<hbm>> -> memref<1x10000xi32, #tpu.memory_space<hbm>>
    %dma_start3A_9 = tpu.memref_squeeze %dma_start3A_8 : memref<1x10000xi32, #tpu.memory_space<hbm>> -> memref<10000xi32, #tpu.memory_space<hbm>>
    tpu.enqueue_dma source(%dma_start3A_9 : memref<10000xi32, #tpu.memory_space<hbm>>) target(%arg7 : memref<10000xi32, #tpu.memory_space<vmem>>) target_semaphore(%arg27 : memref<!tpu.dma_semaphore, #tpu.memory_space<semaphore_mem>>)
    %add3A = arith.constant 10000 : i32
    %add3A_10 = arith.addi %mul3A_2, %add3A : i32
    %dma_start3A_11 = arith.constant 0 : i32
    %dma_start3A_12 = tpu.memref_slice %arg2[%dma_start3A_11, %add3A_10] : memref<2x320000xi32, #tpu.memory_space<hbm>> -> memref<1x10000xi32, #tpu.memory_space<hbm>>
    %dma_start3A_13 = tpu.memref_squeeze %dma_start3A_12 : memref<1x10000xi32, #tpu.memory_space<hbm>> -> memref<10000xi32, #tpu.memory_space<hbm>>
    %dma_start3A_14 = tpu.memref_slice %arg2[%dma_start3A_11, %add3A_10] : memref<2x320000xi32, #tpu.memory_space<hbm>> -> memref<1x10000xi32, #tpu.memory_space<hbm>>
    %dma_start3A_15 = tpu.memref_squeeze %dma_start3A_14 : memref<1x10000xi32, #tpu.memory_space<hbm>> -> memref<10000xi32, #tpu.memory_space<hbm>>
    tpu.enqueue_dma source(%dma_start3A_15 : memref<10000xi32, #tpu.memory_space<hbm>>) target(%arg8 : memref<10000xi32, #tpu.memory_space<vmem>>) target_semaphore(%arg28 : memref<!tpu.dma_semaphore, #tpu.memory_space<semaphore_mem>>)
    %dma_start3A_16 = arith.constant 1 : i32
    %dma_start3A_17 = tpu.memref_slice %arg2[%dma_start3A_16, %mul3A_2] : memref<2x320000xi32, #tpu.memory_space<hbm>> -> memref<1x10000xi32, #tpu.memory_space<hbm>>
    %dma_start3A_18 = tpu.memref_squeeze %dma_start3A_17 : memref<1x10000xi32, #tpu.memory_space<hbm>> -> memref<10000xi32, #tpu.memory_space<hbm>>
    %dma_start3A_19 = tpu.memref_slice %arg2[%dma_start3A_16, %mul3A_2] : memref<2x320000xi32, #tpu.memory_space<hbm>> -> memref<1x10000xi32, #tpu.memory_space<hbm>>
    %dma_start3A_20 = tpu.memref_squeeze %dma_start3A_19 : memref<1x10000xi32, #tpu.memory_space<hbm>> -> memref<10000xi32, #tpu.memory_space<hbm>>
    tpu.enqueue_dma source(%dma_start3A_20 : memref<10000xi32, #tpu.memory_space<hbm>>) target(%arg9 : memref<10000xi32, #tpu.memory_space<vmem>>) target_semaphore(%arg29 : memref<!tpu.dma_semaphore, #tpu.memory_space<semaphore_mem>>)
    %add3A_21 = arith.constant 10000 : i32
    %add3A_22 = arith.addi %mul3A_2, %add3A_21 : i32
    %dma_start3A_23 = arith.constant 1 : i32
    %dma_start3A_24 = tpu.memref_slice %arg2[%dma_start3A_23, %add3A_22] : memref<2x320000xi32, #tpu.memory_space<hbm>> -> memref<1x10000xi32, #tpu.memory_space<hbm>>
    %dma_start3A_25 = tpu.memref_squeeze %dma_start3A_24 : memref<1x10000xi32, #tpu.memory_space<hbm>> -> memref<10000xi32, #tpu.memory_space<hbm>>
    %dma_start3A_26 = tpu.memref_slice %arg2[%dma_start3A_23, %add3A_22] : memref<2x320000xi32, #tpu.memory_space<hbm>> -> memref<1x10000xi32, #tpu.memory_space<hbm>>
    %dma_start3A_27 = tpu.memref_squeeze %dma_start3A_26 : memref<1x10000xi32, #tpu.memory_space<hbm>> -> memref<10000xi32, #tpu.memory_space<hbm>>
    tpu.enqueue_dma source(%dma_start3A_27 : memref<10000xi32, #tpu.memory_space<hbm>>) target(%arg10 : memref<10000xi32, #tpu.memory_space<vmem>>) target_semaphore(%arg30 : memref<!tpu.dma_semaphore, #tpu.memory_space<semaphore_mem>>)
    "tpu.region"() ({
      %run_scoped3A = tpu.sem_alloc : memref<!tpu.dma_semaphore, #tpu.memory_space<semaphore_mem>>
      tpu.enqueue_dma source(%arg3 : memref<128xf32, #tpu.memory_space<hbm>>) target(%arg17 : memref<128xf32, #tpu.memory_space<vmem>>) target_semaphore(%run_scoped3A : memref<!tpu.dma_semaphore, #tpu.memory_space<semaphore_mem>>)
      tpu.wait_dma2 semaphore(%run_scoped3A : memref<!tpu.dma_semaphore, #tpu.memory_space<semaphore_mem>>) src(%arg3 : memref<128xf32, #tpu.memory_space<hbm>>) dst(%arg17 : memref<128xf32, #tpu.memory_space<vmem>>)
      tpu.yield
    }) : () -> ()
    "tpu.region"() ({
      %run_scoped3A = tpu.sem_alloc : memref<!tpu.dma_semaphore, #tpu.memory_space<semaphore_mem>>
      tpu.enqueue_dma source(%arg4 : memref<128x64xf32, #tpu.memory_space<hbm>>) target(%arg18 : memref<128x64xf32, #tpu.memory_space<vmem>>) target_semaphore(%run_scoped3A : memref<!tpu.dma_semaphore, #tpu.memory_space<semaphore_mem>>)
      tpu.wait_dma2 semaphore(%run_scoped3A : memref<!tpu.dma_semaphore, #tpu.memory_space<semaphore_mem>>) src(%arg4 : memref<128x64xf32, #tpu.memory_space<hbm>>) dst(%arg18 : memref<128x64xf32, #tpu.memory_space<vmem>>)
      tpu.yield
    }) : () -> ()
    "tpu.region"() ({
      %run_scoped3A = tpu.sem_alloc : memref<!tpu.dma_semaphore, #tpu.memory_space<semaphore_mem>>
      tpu.enqueue_dma source(%arg5 : memref<64xf32, #tpu.memory_space<hbm>>) target(%arg19 : memref<64xf32, #tpu.memory_space<vmem>>) target_semaphore(%run_scoped3A : memref<!tpu.dma_semaphore, #tpu.memory_space<semaphore_mem>>)
      tpu.wait_dma2 semaphore(%run_scoped3A : memref<!tpu.dma_semaphore, #tpu.memory_space<semaphore_mem>>) src(%arg5 : memref<64xf32, #tpu.memory_space<hbm>>) dst(%arg19 : memref<64xf32, #tpu.memory_space<vmem>>)
      tpu.yield
    }) : () -> ()
    %scan3A = arith.constant 0 : i32
    %scan3A_28 = arith.constant 0 : i32
    %scan3A_29 = arith.constant 40 : i32
    %scan3A_30 = arith.addi %scan3A_28, %scan3A_29 : i32
    %scan3A_31 = arith.constant 1 : i32
    scf.for %scan3A_151 = %scan3A_28 to %scan3A_30 step %scan3A_31  : i32 {
      %mul3A_152 = arith.constant 16 : i32
      %mul3A_153 = arith.muli %scan3A_151, %mul3A_152 : i32
      %swap3A = arith.index_cast %mul3A_153 : i32 to index
      %swap3A_154 = tpu.vector_load %arg13[%swap3A] {strides = array<i32>} : memref<640xf32, #tpu.memory_space<vmem>>, vector<16xf32>,
      tpu.vector_store %arg13[%swap3A], %broadcast_in_dim3A_3 {strides = array<i32>} : memref<640xf32, #tpu.memory_space<vmem>>, vector<16xf32>,
    }
    %scan3A_32 = arith.constant 40 : i32
    "tpu.region"() ({
      %run_scoped3A = tpu.sem_alloc : memref<!tpu.dma_semaphore, #tpu.memory_space<semaphore_mem>>
      %dma_start3A_151 = tpu.memref_slice %arg22[%mul3A_0] : memref<10240xf32, #tpu.memory_space<vmem_shared>> -> memref<640xf32, #tpu.memory_space<vmem_shared>>
      %dma_start3A_152 = tpu.memref_slice %arg22[%mul3A_0] : memref<10240xf32, #tpu.memory_space<vmem_shared>> -> memref<640xf32, #tpu.memory_space<vmem_shared>>
      tpu.enqueue_dma source(%arg13 : memref<640xf32, #tpu.memory_space<vmem>>) target(%dma_start3A_152 : memref<640xf32, #tpu.memory_space<vmem_shared>>) target_semaphore(%run_scoped3A : memref<!tpu.dma_semaphore, #tpu.memory_space<semaphore_mem>>)
      %dma_wait3A_153 = tpu.memref_slice %arg22[%mul3A_0] : memref<10240xf32, #tpu.memory_space<vmem_shared>> -> memref<640xf32, #tpu.memory_space<vmem_shared>>
      %dma_wait3A_154 = tpu.memref_slice %arg22[%mul3A_0] : memref<10240xf32, #tpu.memory_space<vmem_shared>> -> memref<640xf32, #tpu.memory_space<vmem_shared>>
      tpu.wait_dma2 semaphore(%run_scoped3A : memref<!tpu.dma_semaphore, #tpu.memory_space<semaphore_mem>>) src(%arg13 : memref<640xf32, #tpu.memory_space<vmem>>) dst(%dma_wait3A_154 : memref<640xf32, #tpu.memory_space<vmem_shared>>)
      tpu.yield
    }) : () -> ()
    "tpu.region"() ({
      %run_scoped3A = tpu.sem_alloc : memref<!tpu.dma_semaphore, #tpu.memory_space<semaphore_mem>>
      %dma_start3A_151 = tpu.memref_slice %arg23[%mul3A_0] : memref<10240xf32, #tpu.memory_space<vmem_shared>> -> memref<640xf32, #tpu.memory_space<vmem_shared>>
      %dma_start3A_152 = tpu.memref_slice %arg23[%mul3A_0] : memref<10240xf32, #tpu.memory_space<vmem_shared>> -> memref<640xf32, #tpu.memory_space<vmem_shared>>
      tpu.enqueue_dma source(%arg13 : memref<640xf32, #tpu.memory_space<vmem>>) target(%dma_start3A_152 : memref<640xf32, #tpu.memory_space<vmem_shared>>) target_semaphore(%run_scoped3A : memref<!tpu.dma_semaphore, #tpu.memory_space<semaphore_mem>>)
      %dma_wait3A_153 = tpu.memref_slice %arg23[%mul3A_0] : memref<10240xf32, #tpu.memory_space<vmem_shared>> -> memref<640xf32, #tpu.memory_space<vmem_shared>>
      %dma_wait3A_154 = tpu.memref_slice %arg23[%mul3A_0] : memref<10240xf32, #tpu.memory_space<vmem_shared>> -> memref<640xf32, #tpu.memory_space<vmem_shared>>
      tpu.wait_dma2 semaphore(%run_scoped3A : memref<!tpu.dma_semaphore, #tpu.memory_space<semaphore_mem>>) src(%arg13 : memref<640xf32, #tpu.memory_space<vmem>>) dst(%dma_wait3A_154 : memref<640xf32, #tpu.memory_space<vmem_shared>>)
      tpu.yield
    }) : () -> ()
    "tpu.region"() ({
      %run_scoped3A = tpu.sem_alloc : memref<!tpu.dma_semaphore, #tpu.memory_space<semaphore_mem>>
      %dma_start3A_151 = tpu.memref_slice %arg25[%mul3A_0] : memref<10240xf32, #tpu.memory_space<vmem_shared>> -> memref<640xf32, #tpu.memory_space<vmem_shared>>
      %dma_start3A_152 = tpu.memref_slice %arg25[%mul3A_0] : memref<10240xf32, #tpu.memory_space<vmem_shared>> -> memref<640xf32, #tpu.memory_space<vmem_shared>>
      tpu.enqueue_dma source(%arg13 : memref<640xf32, #tpu.memory_space<vmem>>) target(%dma_start3A_152 : memref<640xf32, #tpu.memory_space<vmem_shared>>) target_semaphore(%run_scoped3A : memref<!tpu.dma_semaphore, #tpu.memory_space<semaphore_mem>>)
      %dma_wait3A_153 = tpu.memref_slice %arg25[%mul3A_0] : memref<10240xf32, #tpu.memory_space<vmem_shared>> -> memref<640xf32, #tpu.memory_space<vmem_shared>>
      %dma_wait3A_154 = tpu.memref_slice %arg25[%mul3A_0] : memref<10240xf32, #tpu.memory_space<vmem_shared>> -> memref<640xf32, #tpu.memory_space<vmem_shared>>
      tpu.wait_dma2 semaphore(%run_scoped3A : memref<!tpu.dma_semaphore, #tpu.memory_space<semaphore_mem>>) src(%arg13 : memref<640xf32, #tpu.memory_space<vmem>>) dst(%dma_wait3A_154 : memref<640xf32, #tpu.memory_space<vmem_shared>>)
      tpu.yield
    }) : () -> ()
    "tpu.region"() ({
      %run_scoped3A = tpu.sem_alloc : memref<!tpu.dma_semaphore, #tpu.memory_space<semaphore_mem>>
      %dma_start3A_151 = tpu.memref_slice %arg26[%mul3A_0] : memref<10240xf32, #tpu.memory_space<vmem_shared>> -> memref<640xf32, #tpu.memory_space<vmem_shared>>
      %dma_start3A_152 = tpu.memref_slice %arg26[%mul3A_0] : memref<10240xf32, #tpu.memory_space<vmem_shared>> -> memref<640xf32, #tpu.memory_space<vmem_shared>>
      tpu.enqueue_dma source(%arg13 : memref<640xf32, #tpu.memory_space<vmem>>) target(%dma_start3A_152 : memref<640xf32, #tpu.memory_space<vmem_shared>>) target_semaphore(%run_scoped3A : memref<!tpu.dma_semaphore, #tpu.memory_space<semaphore_mem>>)
      %dma_wait3A_153 = tpu.memref_slice %arg26[%mul3A_0] : memref<10240xf32, #tpu.memory_space<vmem_shared>> -> memref<640xf32, #tpu.memory_space<vmem_shared>>
      %dma_wait3A_154 = tpu.memref_slice %arg26[%mul3A_0] : memref<10240xf32, #tpu.memory_space<vmem_shared>> -> memref<640xf32, #tpu.memory_space<vmem_shared>>
      tpu.wait_dma2 semaphore(%run_scoped3A : memref<!tpu.dma_semaphore, #tpu.memory_space<semaphore_mem>>) src(%arg13 : memref<640xf32, #tpu.memory_space<vmem>>) dst(%dma_wait3A_154 : memref<640xf32, #tpu.memory_space<vmem_shared>>)
      tpu.yield
    }) : () -> ()
    %scan3A_33 = arith.constant 0 : i32
    %scan3A_34 = arith.constant 0 : i32
    %scan3A_35 = arith.constant 125 : i32
    %scan3A_36 = arith.addi %scan3A_34, %scan3A_35 : i32
    %scan3A_37 = arith.constant 1 : i32
    scf.for %scan3A_151 = %scan3A_34 to %scan3A_36 step %scan3A_37  : i32 {
      %mul3A_152 = arith.constant 80 : i32
      %mul3A_153 = arith.muli %scan3A_151, %mul3A_152 : i32
      %add3A_154 = arith.constant 0 : i32
      %add3A_155 = arith.addi %mul3A_153, %add3A_154 : i32
      %swap3A = arith.index_cast %add3A_155 : i32 to index
      %swap3A_156 = tpu.vector_load %arg11[%swap3A] {strides = array<i32>} : memref<10000xf32, #tpu.memory_space<vmem>>, vector<16xf32>,
      tpu.vector_store %arg11[%swap3A], %broadcast_in_dim3A_5 {strides = array<i32>} : memref<10000xf32, #tpu.memory_space<vmem>>, vector<16xf32>,
      %add3A_157 = arith.constant 0 : i32
      %add3A_158 = arith.addi %mul3A_153, %add3A_157 : i32
      %swap3A_159 = arith.index_cast %add3A_158 : i32 to index
      %swap3A_160 = tpu.vector_load %arg12[%swap3A_159] {strides = array<i32>} : memref<10000xf32, #tpu.memory_space<vmem>>, vector<16xf32>,
      tpu.vector_store %arg12[%swap3A_159], %broadcast_in_dim3A_5 {strides = array<i32>} : memref<10000xf32, #tpu.memory_space<vmem>>, vector<16xf32>,
      %add3A_161 = arith.constant 16 : i32
      %add3A_162 = arith.addi %mul3A_153, %add3A_161 : i32
      %swap3A_163 = arith.index_cast %add3A_162 : i32 to index
      %swap3A_164 = tpu.vector_load %arg11[%swap3A_163] {strides = array<i32>} : memref<10000xf32, #tpu.memory_space<vmem>>, vector<16xf32>,
      tpu.vector_store %arg11[%swap3A_163], %broadcast_in_dim3A_5 {strides = array<i32>} : memref<10000xf32, #tpu.memory_space<vmem>>, vector<16xf32>,
      %add3A_165 = arith.constant 16 : i32
      %add3A_166 = arith.addi %mul3A_153, %add3A_165 : i32
      %swap3A_167 = arith.index_cast %add3A_166 : i32 to index
      %swap3A_168 = tpu.vector_load %arg12[%swap3A_167] {strides = array<i32>} : memref<10000xf32, #tpu.memory_space<vmem>>, vector<16xf32>,
      tpu.vector_store %arg12[%swap3A_167], %broadcast_in_dim3A_5 {strides = array<i32>} : memref<10000xf32, #tpu.memory_space<vmem>>, vector<16xf32>,
      %add3A_169 = arith.constant 32 : i32
      %add3A_170 = arith.addi %mul3A_153, %add3A_169 : i32
      %swap3A_171 = arith.index_cast %add3A_170 : i32 to index
      %swap3A_172 = tpu.vector_load %arg11[%swap3A_171] {strides = array<i32>} : memref<10000xf32, #tpu.memory_space<vmem>>, vector<16xf32>,
      tpu.vector_store %arg11[%swap3A_171], %broadcast_in_dim3A_5 {strides = array<i32>} : memref<10000xf32, #tpu.memory_space<vmem>>, vector<16xf32>,
      %add3A_173 = arith.constant 32 : i32
      %add3A_174 = arith.addi %mul3A_153, %add3A_173 : i32
      %swap3A_175 = arith.index_cast %add3A_174 : i32 to index
      %swap3A_176 = tpu.vector_load %arg12[%swap3A_175] {strides = array<i32>} : memref<10000xf32, #tpu.memory_space<vmem>>, vector<16xf32>,
      tpu.vector_store %arg12[%swap3A_175], %broadcast_in_dim3A_5 {strides = array<i32>} : memref<10000xf32, #tpu.memory_space<vmem>>, vector<16xf32>,
      %add3A_177 = arith.constant 48 : i32
      %add3A_178 = arith.addi %mul3A_153, %add3A_177 : i32
      %swap3A_179 = arith.index_cast %add3A_178 : i32 to index
      %swap3A_180 = tpu.vector_load %arg11[%swap3A_179] {strides = array<i32>} : memref<10000xf32, #tpu.memory_space<vmem>>, vector<16xf32>,
      tpu.vector_store %arg11[%swap3A_179], %broadcast_in_dim3A_5 {strides = array<i32>} : memref<10000xf32, #tpu.memory_space<vmem>>, vector<16xf32>,
      %add3A_181 = arith.constant 48 : i32
      %add3A_182 = arith.addi %mul3A_153, %add3A_181 : i32
      %swap3A_183 = arith.index_cast %add3A_182 : i32 to index
      %swap3A_184 = tpu.vector_load %arg12[%swap3A_183] {strides = array<i32>} : memref<10000xf32, #tpu.memory_space<vmem>>, vector<16xf32>,
      tpu.vector_store %arg12[%swap3A_183], %broadcast_in_dim3A_5 {strides = array<i32>} : memref<10000xf32, #tpu.memory_space<vmem>>, vector<16xf32>,
      %add3A_185 = arith.constant 64 : i32
      %add3A_186 = arith.addi %mul3A_153, %add3A_185 : i32
      %swap3A_187 = arith.index_cast %add3A_186 : i32 to index
      %swap3A_188 = tpu.vector_load %arg11[%swap3A_187] {strides = array<i32>} : memref<10000xf32, #tpu.memory_space<vmem>>, vector<16xf32>,
      tpu.vector_store %arg11[%swap3A_187], %broadcast_in_dim3A_5 {strides = array<i32>} : memref<10000xf32, #tpu.memory_space<vmem>>, vector<16xf32>,
      %add3A_189 = arith.constant 64 : i32
      %add3A_190 = arith.addi %mul3A_153, %add3A_189 : i32
      %swap3A_191 = arith.index_cast %add3A_190 : i32 to index
      %swap3A_192 = tpu.vector_load %arg12[%swap3A_191] {strides = array<i32>} : memref<10000xf32, #tpu.memory_space<vmem>>, vector<16xf32>,
      tpu.vector_store %arg12[%swap3A_191], %broadcast_in_dim3A_5 {strides = array<i32>} : memref<10000xf32, #tpu.memory_space<vmem>>, vector<16xf32>,
    }
    %scan3A_38 = arith.constant 125 : i32
    %dma_wait3A = arith.constant 0 : i32
    %dma_wait3A_39 = tpu.memref_slice %arg2[%dma_wait3A, %mul3A_2] : memref<2x320000xi32, #tpu.memory_space<hbm>> -> memref<1x10000xi32, #tpu.memory_space<hbm>>
    %dma_wait3A_40 = tpu.memref_squeeze %dma_wait3A_39 : memref<1x10000xi32, #tpu.memory_space<hbm>> -> memref<10000xi32, #tpu.memory_space<hbm>>
    %dma_wait3A_41 = tpu.memref_slice %arg2[%dma_wait3A, %mul3A_2] : memref<2x320000xi32, #tpu.memory_space<hbm>> -> memref<1x10000xi32, #tpu.memory_space<hbm>>
    %dma_wait3A_42 = tpu.memref_squeeze %dma_wait3A_41 : memref<1x10000xi32, #tpu.memory_space<hbm>> -> memref<10000xi32, #tpu.memory_space<hbm>>
    tpu.wait_dma2 semaphore(%arg27 : memref<!tpu.dma_semaphore, #tpu.memory_space<semaphore_mem>>) src(%dma_wait3A_42 : memref<10000xi32, #tpu.memory_space<hbm>>) dst(%arg7 : memref<10000xi32, #tpu.memory_space<vmem>>)
    %dma_wait3A_43 = arith.constant 0 : i32
    %dma_wait3A_44 = tpu.memref_slice %arg2[%dma_wait3A_43, %add3A_10] : memref<2x320000xi32, #tpu.memory_space<hbm>> -> memref<1x10000xi32, #tpu.memory_space<hbm>>
    %dma_wait3A_45 = tpu.memref_squeeze %dma_wait3A_44 : memref<1x10000xi32, #tpu.memory_space<hbm>> -> memref<10000xi32, #tpu.memory_space<hbm>>
    %dma_wait3A_46 = tpu.memref_slice %arg2[%dma_wait3A_43, %add3A_10] : memref<2x320000xi32, #tpu.memory_space<hbm>> -> memref<1x10000xi32, #tpu.memory_space<hbm>>
    %dma_wait3A_47 = tpu.memref_squeeze %dma_wait3A_46 : memref<1x10000xi32, #tpu.memory_space<hbm>> -> memref<10000xi32, #tpu.memory_space<hbm>>
    tpu.wait_dma2 semaphore(%arg28 : memref<!tpu.dma_semaphore, #tpu.memory_space<semaphore_mem>>) src(%dma_wait3A_47 : memref<10000xi32, #tpu.memory_space<hbm>>) dst(%arg8 : memref<10000xi32, #tpu.memory_space<vmem>>)
    %dma_wait3A_48 = arith.constant 1 : i32
    %dma_wait3A_49 = tpu.memref_slice %arg2[%dma_wait3A_48, %mul3A_2] : memref<2x320000xi32, #tpu.memory_space<hbm>> -> memref<1x10000xi32, #tpu.memory_space<hbm>>
    %dma_wait3A_50 = tpu.memref_squeeze %dma_wait3A_49 : memref<1x10000xi32, #tpu.memory_space<hbm>> -> memref<10000xi32, #tpu.memory_space<hbm>>
    %dma_wait3A_51 = tpu.memref_slice %arg2[%dma_wait3A_48, %mul3A_2] : memref<2x320000xi32, #tpu.memory_space<hbm>> -> memref<1x10000xi32, #tpu.memory_space<hbm>>
    %dma_wait3A_52 = tpu.memref_squeeze %dma_wait3A_51 : memref<1x10000xi32, #tpu.memory_space<hbm>> -> memref<10000xi32, #tpu.memory_space<hbm>>
    tpu.wait_dma2 semaphore(%arg29 : memref<!tpu.dma_semaphore, #tpu.memory_space<semaphore_mem>>) src(%dma_wait3A_52 : memref<10000xi32, #tpu.memory_space<hbm>>) dst(%arg9 : memref<10000xi32, #tpu.memory_space<vmem>>)
    %dma_wait3A_53 = arith.constant 1 : i32
    %dma_wait3A_54 = tpu.memref_slice %arg2[%dma_wait3A_53, %add3A_22] : memref<2x320000xi32, #tpu.memory_space<hbm>> -> memref<1x10000xi32, #tpu.memory_space<hbm>>
    %dma_wait3A_55 = tpu.memref_squeeze %dma_wait3A_54 : memref<1x10000xi32, #tpu.memory_space<hbm>> -> memref<10000xi32, #tpu.memory_space<hbm>>
    %dma_wait3A_56 = tpu.memref_slice %arg2[%dma_wait3A_53, %add3A_22] : memref<2x320000xi32, #tpu.memory_space<hbm>> -> memref<1x10000xi32, #tpu.memory_space<hbm>>
    %dma_wait3A_57 = tpu.memref_squeeze %dma_wait3A_56 : memref<1x10000xi32, #tpu.memory_space<hbm>> -> memref<10000xi32, #tpu.memory_space<hbm>>
    tpu.wait_dma2 semaphore(%arg30 : memref<!tpu.dma_semaphore, #tpu.memory_space<semaphore_mem>>) src(%dma_wait3A_57 : memref<10000xi32, #tpu.memory_space<hbm>>) dst(%arg10 : memref<10000xi32, #tpu.memory_space<vmem>>)
    %barrier3A = arith.constant 0 : index
    tpu.barrier barrier_id(%barrier3A)
    %dma_start3A_58 = arith.constant 0 : i32
    %dma_start3A_59 = tpu.memref_slice %arg22[%dma_start3A_58] : memref<10240xf32, #tpu.memory_space<vmem_shared>> -> memref<10240xf32, #tpu.memory_space<vmem_shared>>
    tpu.enqueue_indirect_dma source(%arg11 : memref<10000xf32, #tpu.memory_space<vmem>>) target(%dma_start3A_59 : memref<10240xf32, #tpu.memory_space<vmem_shared>>) offsets(%arg7 : memref<10000xi32, #tpu.memory_space<vmem>>) semaphore(%arg27 : memref<!tpu.dma_semaphore, #tpu.memory_space<semaphore_mem>>) {add = true}
    %dma_start3A_60 = arith.constant 0 : i32
    %dma_start3A_61 = tpu.memref_slice %arg22[%dma_start3A_60] : memref<10240xf32, #tpu.memory_space<vmem_shared>> -> memref<10240xf32, #tpu.memory_space<vmem_shared>>
    tpu.enqueue_indirect_dma source(%arg12 : memref<10000xf32, #tpu.memory_space<vmem>>) target(%dma_start3A_61 : memref<10240xf32, #tpu.memory_space<vmem_shared>>) offsets(%arg8 : memref<10000xi32, #tpu.memory_space<vmem>>) semaphore(%arg28 : memref<!tpu.dma_semaphore, #tpu.memory_space<semaphore_mem>>) {add = true}
    %dma_start3A_62 = arith.constant 0 : i32
    %dma_start3A_63 = tpu.memref_slice %arg23[%dma_start3A_62] : memref<10240xf32, #tpu.memory_space<vmem_shared>> -> memref<10240xf32, #tpu.memory_space<vmem_shared>>
    tpu.enqueue_indirect_dma source(%arg11 : memref<10000xf32, #tpu.memory_space<vmem>>) target(%dma_start3A_63 : memref<10240xf32, #tpu.memory_space<vmem_shared>>) offsets(%arg9 : memref<10000xi32, #tpu.memory_space<vmem>>) semaphore(%arg29 : memref<!tpu.dma_semaphore, #tpu.memory_space<semaphore_mem>>) {add = true}
    %dma_start3A_64 = arith.constant 0 : i32
    %dma_start3A_65 = tpu.memref_slice %arg23[%dma_start3A_64] : memref<10240xf32, #tpu.memory_space<vmem_shared>> -> memref<10240xf32, #tpu.memory_space<vmem_shared>>
    tpu.enqueue_indirect_dma source(%arg12 : memref<10000xf32, #tpu.memory_space<vmem>>) target(%dma_start3A_65 : memref<10240xf32, #tpu.memory_space<vmem_shared>>) offsets(%arg10 : memref<10000xi32, #tpu.memory_space<vmem>>) semaphore(%arg30 : memref<!tpu.dma_semaphore, #tpu.memory_space<semaphore_mem>>) {add = true}
    %scan3A_66 = arith.constant 0 : i32
    %scan3A_67 = arith.constant 128 : i32
    %scan3A_68 = arith.addi %scan3A_66, %scan3A_67 : i32
    %scan3A_69 = arith.constant 1 : i32
    %scan3A_70:4 = scf.for %scan3A_151 = %scan3A_66 to %scan3A_68 step %scan3A_69 iter_args(%scan3A_152 = %broadcast_in_dim3A_3, %scan3A_153 = %broadcast_in_dim3A_3, %scan3A_154 = %broadcast_in_dim3A_3, %scan3A_155 = %broadcast_in_dim3A_3) -> (vector<16xf32>, vector<16xf32>, vector<16xf32>, vector<16xf32>)  : i32 {
      %broadcast_in_dim3A_156 = vector.broadcast %scan3A_151 : i32 to vector<16xi32>
      %gather3A = tpu.vector_load_idx %arg17[%broadcast_in_dim3A_156] : memref<128xf32, #tpu.memory_space<vmem>>[vector<16xi32>], vector<16xf32>,
      %max3A = arith.constant 0.000000e+00 : f32
      %max3A_157 = vector.broadcast %max3A : f32 to vector<16xf32>
      %max3A_158 = arith.maximumf %gather3A, %max3A_157 : vector<16xf32>
      %get3A_159 = arith.index_cast %scan3A_151 : i32 to index
      %get3A_160 = arith.constant 0 : index
      %get3A_161 = tpu.vector_load %arg18[%get3A_159, %get3A_160] {strides = array<i32>} : memref<128x64xf32, #tpu.memory_space<vmem>>, vector<16xf32>,
      %mul3A_162 = arith.mulf %max3A_158, %get3A_161 : vector<16xf32>
      %add3A_163 = arith.addf %scan3A_152, %mul3A_162 : vector<16xf32>
      %get3A_164 = arith.index_cast %scan3A_151 : i32 to index
      %get3A_165 = arith.constant 16 : index
      %get3A_166 = tpu.vector_load %arg18[%get3A_164, %get3A_165] {strides = array<i32>} : memref<128x64xf32, #tpu.memory_space<vmem>>, vector<16xf32>,
      %mul3A_167 = arith.mulf %max3A_158, %get3A_166 : vector<16xf32>
      %add3A_168 = arith.addf %scan3A_153, %mul3A_167 : vector<16xf32>
      %get3A_169 = arith.index_cast %scan3A_151 : i32 to index
      %get3A_170 = arith.constant 32 : index
      %get3A_171 = tpu.vector_load %arg18[%get3A_169, %get3A_170] {strides = array<i32>} : memref<128x64xf32, #tpu.memory_space<vmem>>, vector<16xf32>,
      %mul3A_172 = arith.mulf %max3A_158, %get3A_171 : vector<16xf32>
      %add3A_173 = arith.addf %scan3A_154, %mul3A_172 : vector<16xf32>
      %get3A_174 = arith.index_cast %scan3A_151 : i32 to index
      %get3A_175 = arith.constant 48 : index
      %get3A_176 = tpu.vector_load %arg18[%get3A_174, %get3A_175] {strides = array<i32>} : memref<128x64xf32, #tpu.memory_space<vmem>>, vector<16xf32>,
      %mul3A_177 = arith.mulf %max3A_158, %get3A_176 : vector<16xf32>
      %add3A_178 = arith.addf %scan3A_155, %mul3A_177 : vector<16xf32>
      scf.yield %add3A_163, %add3A_168, %add3A_173, %add3A_178 : vector<16xf32>, vector<16xf32>, vector<16xf32>, vector<16xf32>
    }
    %scan3A_71 = arith.constant 128 : i32
    %get3A = arith.constant 0 : index
    %get3A_72 = tpu.vector_load %arg19[%get3A] {strides = array<i32>} : memref<64xf32, #tpu.memory_space<vmem>>, vector<16xf32>,
    %get3A_73 = arith.constant 16 : index
    %get3A_74 = tpu.vector_load %arg19[%get3A_73] {strides = array<i32>} : memref<64xf32, #tpu.memory_space<vmem>>, vector<16xf32>,
    %get3A_75 = arith.constant 32 : index
    %get3A_76 = tpu.vector_load %arg19[%get3A_75] {strides = array<i32>} : memref<64xf32, #tpu.memory_space<vmem>>, vector<16xf32>,
    %get3A_77 = arith.constant 48 : index
    %get3A_78 = tpu.vector_load %arg19[%get3A_77] {strides = array<i32>} : memref<64xf32, #tpu.memory_space<vmem>>, vector<16xf32>,
    %dma_wait3A_79 = arith.constant 0 : i32
    %dma_wait3A_80 = tpu.memref_slice %arg22[%dma_wait3A_79] : memref<10240xf32, #tpu.memory_space<vmem_shared>> -> memref<10240xf32, #tpu.memory_space<vmem_shared>>
    tpu.wait_indirect_dma semaphore(%arg27 : memref<!tpu.dma_semaphore, #tpu.memory_space<semaphore_mem>>) src(%arg11 : memref<10000xf32, #tpu.memory_space<vmem>>) dst(%dma_wait3A_80 : memref<10240xf32, #tpu.memory_space<vmem_shared>>)
    %dma_wait3A_81 = arith.constant 0 : i32
    %dma_wait3A_82 = tpu.memref_slice %arg22[%dma_wait3A_81] : memref<10240xf32, #tpu.memory_space<vmem_shared>> -> memref<10240xf32, #tpu.memory_space<vmem_shared>>
    tpu.wait_indirect_dma semaphore(%arg28 : memref<!tpu.dma_semaphore, #tpu.memory_space<semaphore_mem>>) src(%arg12 : memref<10000xf32, #tpu.memory_space<vmem>>) dst(%dma_wait3A_82 : memref<10240xf32, #tpu.memory_space<vmem_shared>>)
    %dma_wait3A_83 = arith.constant 0 : i32
    %dma_wait3A_84 = tpu.memref_slice %arg23[%dma_wait3A_83] : memref<10240xf32, #tpu.memory_space<vmem_shared>> -> memref<10240xf32, #tpu.memory_space<vmem_shared>>
    tpu.wait_indirect_dma semaphore(%arg29 : memref<!tpu.dma_semaphore, #tpu.memory_space<semaphore_mem>>) src(%arg11 : memref<10000xf32, #tpu.memory_space<vmem>>) dst(%dma_wait3A_84 : memref<10240xf32, #tpu.memory_space<vmem_shared>>)
    %dma_wait3A_85 = arith.constant 0 : i32
    %dma_wait3A_86 = tpu.memref_slice %arg23[%dma_wait3A_85] : memref<10240xf32, #tpu.memory_space<vmem_shared>> -> memref<10240xf32, #tpu.memory_space<vmem_shared>>
    tpu.wait_indirect_dma semaphore(%arg30 : memref<!tpu.dma_semaphore, #tpu.memory_space<semaphore_mem>>) src(%arg12 : memref<10000xf32, #tpu.memory_space<vmem>>) dst(%dma_wait3A_86 : memref<10240xf32, #tpu.memory_space<vmem_shared>>)
    %barrier3A_87 = arith.constant 0 : index
    tpu.barrier barrier_id(%barrier3A_87)
    "tpu.region"() ({
      %run_scoped3A = tpu.sem_alloc : memref<!tpu.dma_semaphore, #tpu.memory_space<semaphore_mem>>
      %dma_start3A_151 = tpu.memref_slice %arg22[%mul3A_0] : memref<10240xf32, #tpu.memory_space<vmem_shared>> -> memref<640xf32, #tpu.memory_space<vmem_shared>>
      %dma_start3A_152 = tpu.memref_slice %arg22[%mul3A_0] : memref<10240xf32, #tpu.memory_space<vmem_shared>> -> memref<640xf32, #tpu.memory_space<vmem_shared>>
      tpu.enqueue_dma source(%dma_start3A_152 : memref<640xf32, #tpu.memory_space<vmem_shared>>) target(%arg13 : memref<640xf32, #tpu.memory_space<vmem>>) target_semaphore(%run_scoped3A : memref<!tpu.dma_semaphore, #tpu.memory_space<semaphore_mem>>)
      %dma_wait3A_153 = tpu.memref_slice %arg22[%mul3A_0] : memref<10240xf32, #tpu.memory_space<vmem_shared>> -> memref<640xf32, #tpu.memory_space<vmem_shared>>
      %dma_wait3A_154 = tpu.memref_slice %arg22[%mul3A_0] : memref<10240xf32, #tpu.memory_space<vmem_shared>> -> memref<640xf32, #tpu.memory_space<vmem_shared>>
      tpu.wait_dma2 semaphore(%run_scoped3A : memref<!tpu.dma_semaphore, #tpu.memory_space<semaphore_mem>>) src(%dma_wait3A_154 : memref<640xf32, #tpu.memory_space<vmem_shared>>) dst(%arg13 : memref<640xf32, #tpu.memory_space<vmem>>)
      tpu.yield
    }) : () -> ()
    "tpu.region"() ({
      %run_scoped3A = tpu.sem_alloc : memref<!tpu.dma_semaphore, #tpu.memory_space<semaphore_mem>>
      %dma_start3A_151 = tpu.memref_slice %arg23[%mul3A_0] : memref<10240xf32, #tpu.memory_space<vmem_shared>> -> memref<640xf32, #tpu.memory_space<vmem_shared>>
      %dma_start3A_152 = tpu.memref_slice %arg23[%mul3A_0] : memref<10240xf32, #tpu.memory_space<vmem_shared>> -> memref<640xf32, #tpu.memory_space<vmem_shared>>
      tpu.enqueue_dma source(%dma_start3A_152 : memref<640xf32, #tpu.memory_space<vmem_shared>>) target(%arg16 : memref<640xf32, #tpu.memory_space<vmem>>) target_semaphore(%run_scoped3A : memref<!tpu.dma_semaphore, #tpu.memory_space<semaphore_mem>>)
      %dma_wait3A_153 = tpu.memref_slice %arg23[%mul3A_0] : memref<10240xf32, #tpu.memory_space<vmem_shared>> -> memref<640xf32, #tpu.memory_space<vmem_shared>>
      %dma_wait3A_154 = tpu.memref_slice %arg23[%mul3A_0] : memref<10240xf32, #tpu.memory_space<vmem_shared>> -> memref<640xf32, #tpu.memory_space<vmem_shared>>
      tpu.wait_dma2 semaphore(%run_scoped3A : memref<!tpu.dma_semaphore, #tpu.memory_space<semaphore_mem>>) src(%dma_wait3A_154 : memref<640xf32, #tpu.memory_space<vmem_shared>>) dst(%arg16 : memref<640xf32, #tpu.memory_space<vmem>>)
      tpu.yield
    }) : () -> ()
    %scan3A_88 = arith.constant 0 : i32
    %scan3A_89 = arith.constant 0 : i32
    %scan3A_90 = arith.constant 40 : i32
    %scan3A_91 = arith.addi %scan3A_89, %scan3A_90 : i32
    %scan3A_92 = arith.constant 1 : i32
    scf.for %scan3A_151 = %scan3A_89 to %scan3A_91 step %scan3A_92  : i32 {
      %mul3A_152 = arith.constant 16 : i32
      %mul3A_153 = arith.muli %scan3A_151, %mul3A_152 : i32
      %get3A_154 = arith.index_cast %mul3A_153 : i32 to index
      %get3A_155 = tpu.vector_load %arg16[%get3A_154] {strides = array<i32>} : memref<640xf32, #tpu.memory_space<vmem>>, vector<16xf32>,
      %add3A_156 = arith.constant 1.000000e+00 : f32
      %add3A_157 = vector.broadcast %add3A_156 : f32 to vector<16xf32>
      %add3A_158 = arith.addf %get3A_155, %add3A_157 : vector<16xf32>
      %bitcast3A = vector.bitcast %add3A_158 : vector<16xf32> to vector<16xi32>
      %shift_right_arithmetic3A = arith.constant 1 : i32
      %shift_right_arithmetic3A_159 = vector.broadcast %shift_right_arithmetic3A : i32 to vector<16xi32>
      %shift_right_arithmetic3A_160 = arith.shrsi %bitcast3A, %shift_right_arithmetic3A_159 : vector<16xi32>
      %sub3A = arith.constant 1597463007 : i32
      %sub3A_161 = vector.broadcast %sub3A : i32 to vector<16xi32>
      %sub3A_162 = arith.subi %sub3A_161, %shift_right_arithmetic3A_160 : vector<16xi32>
      %bitcast3A_163 = vector.bitcast %sub3A_162 : vector<16xi32> to vector<16xf32>
      %mul3A_164 = arith.constant 5.000000e-01 : f32
      %mul3A_165 = vector.broadcast %mul3A_164 : f32 to vector<16xf32>
      %mul3A_166 = arith.mulf %mul3A_165, %add3A_158 : vector<16xf32>
      %mul3A_167 = arith.mulf %mul3A_166, %bitcast3A_163 : vector<16xf32>
      %mul3A_168 = arith.mulf %mul3A_167, %bitcast3A_163 : vector<16xf32>
      %sub3A_169 = arith.constant 1.500000e+00 : f32
      %sub3A_170 = vector.broadcast %sub3A_169 : f32 to vector<16xf32>
      %sub3A_171 = arith.subf %sub3A_170, %mul3A_168 : vector<16xf32>
      %mul3A_172 = arith.mulf %bitcast3A_163, %sub3A_171 : vector<16xf32>
      %mul3A_173 = arith.constant 5.000000e-01 : f32
      %mul3A_174 = vector.broadcast %mul3A_173 : f32 to vector<16xf32>
      %mul3A_175 = arith.mulf %mul3A_174, %add3A_158 : vector<16xf32>
      %mul3A_176 = arith.mulf %mul3A_175, %mul3A_172 : vector<16xf32>
      %mul3A_177 = arith.mulf %mul3A_176, %mul3A_172 : vector<16xf32>
      %sub3A_178 = arith.constant 1.500000e+00 : f32
      %sub3A_179 = vector.broadcast %sub3A_178 : f32 to vector<16xf32>
      %sub3A_180 = arith.subf %sub3A_179, %mul3A_177 : vector<16xf32>
      %mul3A_181 = arith.mulf %mul3A_172, %sub3A_180 : vector<16xf32>
      %mul3A_182 = arith.constant 5.000000e-01 : f32
      %mul3A_183 = vector.broadcast %mul3A_182 : f32 to vector<16xf32>
      %mul3A_184 = arith.mulf %mul3A_183, %add3A_158 : vector<16xf32>
      %mul3A_185 = arith.mulf %mul3A_184, %mul3A_181 : vector<16xf32>
      %mul3A_186 = arith.mulf %mul3A_185, %mul3A_181 : vector<16xf32>
      %sub3A_187 = arith.constant 1.500000e+00 : f32
      %sub3A_188 = vector.broadcast %sub3A_187 : f32 to vector<16xf32>
      %sub3A_189 = arith.subf %sub3A_188, %mul3A_186 : vector<16xf32>
      %mul3A_190 = arith.mulf %mul3A_181, %sub3A_189 : vector<16xf32>
      %mul3A_191 = arith.constant 5.000000e-01 : f32
      %mul3A_192 = vector.broadcast %mul3A_191 : f32 to vector<16xf32>
      %mul3A_193 = arith.mulf %mul3A_192, %add3A_158 : vector<16xf32>
      %mul3A_194 = arith.mulf %mul3A_193, %mul3A_190 : vector<16xf32>
      %mul3A_195 = arith.mulf %mul3A_194, %mul3A_190 : vector<16xf32>
      %sub3A_196 = arith.constant 1.500000e+00 : f32
      %sub3A_197 = vector.broadcast %sub3A_196 : f32 to vector<16xf32>
      %sub3A_198 = arith.subf %sub3A_197, %mul3A_195 : vector<16xf32>
      %mul3A_199 = arith.mulf %mul3A_190, %sub3A_198 : vector<16xf32>
      %mul3A_200 = arith.constant 16 : i32
      %mul3A_201 = arith.muli %scan3A_151, %mul3A_200 : i32
      %swap3A = arith.index_cast %mul3A_201 : i32 to index
      %swap3A_202 = tpu.vector_load %arg14[%swap3A] {strides = array<i32>} : memref<640xf32, #tpu.memory_space<vmem>>, vector<16xf32>,
      tpu.vector_store %arg14[%swap3A], %mul3A_199 {strides = array<i32>} : memref<640xf32, #tpu.memory_space<vmem>>, vector<16xf32>,
      %mul3A_203 = arith.constant 16 : i32
      %mul3A_204 = arith.muli %scan3A_151, %mul3A_203 : i32
      %get3A_205 = arith.index_cast %mul3A_204 : i32 to index
      %get3A_206 = tpu.vector_load %arg13[%get3A_205] {strides = array<i32>} : memref<640xf32, #tpu.memory_space<vmem>>, vector<16xf32>,
      %mul3A_207 = arith.mulf %mul3A_199, %get3A_206 : vector<16xf32>
      %mul3A_208 = arith.constant 16 : i32
      %mul3A_209 = arith.muli %scan3A_151, %mul3A_208 : i32
      %swap3A_210 = arith.index_cast %mul3A_209 : i32 to index
      %swap3A_211 = tpu.vector_load %arg15[%swap3A_210] {strides = array<i32>} : memref<640xf32, #tpu.memory_space<vmem>>, vector<16xf32>,
      tpu.vector_store %arg15[%swap3A_210], %mul3A_207 {strides = array<i32>} : memref<640xf32, #tpu.memory_space<vmem>>, vector<16xf32>,
    }
    %scan3A_93 = arith.constant 40 : i32
    "tpu.region"() ({
      %run_scoped3A = tpu.sem_alloc : memref<!tpu.dma_semaphore, #tpu.memory_space<semaphore_mem>>
      %dma_start3A_151 = tpu.memref_slice %arg24[%mul3A_0] : memref<10240xf32, #tpu.memory_space<vmem_shared>> -> memref<640xf32, #tpu.memory_space<vmem_shared>>
      %dma_start3A_152 = tpu.memref_slice %arg24[%mul3A_0] : memref<10240xf32, #tpu.memory_space<vmem_shared>> -> memref<640xf32, #tpu.memory_space<vmem_shared>>
      tpu.enqueue_dma source(%arg15 : memref<640xf32, #tpu.memory_space<vmem>>) target(%dma_start3A_152 : memref<640xf32, #tpu.memory_space<vmem_shared>>) target_semaphore(%run_scoped3A : memref<!tpu.dma_semaphore, #tpu.memory_space<semaphore_mem>>)
      %dma_wait3A_153 = tpu.memref_slice %arg24[%mul3A_0] : memref<10240xf32, #tpu.memory_space<vmem_shared>> -> memref<640xf32, #tpu.memory_space<vmem_shared>>
      %dma_wait3A_154 = tpu.memref_slice %arg24[%mul3A_0] : memref<10240xf32, #tpu.memory_space<vmem_shared>> -> memref<640xf32, #tpu.memory_space<vmem_shared>>
      tpu.wait_dma2 semaphore(%run_scoped3A : memref<!tpu.dma_semaphore, #tpu.memory_space<semaphore_mem>>) src(%arg15 : memref<640xf32, #tpu.memory_space<vmem>>) dst(%dma_wait3A_154 : memref<640xf32, #tpu.memory_space<vmem_shared>>)
      tpu.yield
    }) : () -> ()
    %barrier3A_94 = arith.constant 0 : index
    tpu.barrier barrier_id(%barrier3A_94)
    "tpu.region"() ({
      %run_scoped3A = tpu.sem_alloc : memref<!tpu.dma_semaphore, #tpu.memory_space<semaphore_mem>>
      tpu.enqueue_dma source(%arg24 : memref<10240xf32, #tpu.memory_space<vmem_shared>>) target(%arg20 : memref<10240xf32, #tpu.memory_space<vmem>>) target_semaphore(%run_scoped3A : memref<!tpu.dma_semaphore, #tpu.memory_space<semaphore_mem>>)
      tpu.wait_dma2 semaphore(%run_scoped3A : memref<!tpu.dma_semaphore, #tpu.memory_space<semaphore_mem>>) src(%arg24 : memref<10240xf32, #tpu.memory_space<vmem_shared>>) dst(%arg20 : memref<10240xf32, #tpu.memory_space<vmem>>)
      tpu.yield
    }) : () -> ()
    %scan3A_95 = arith.constant 0 : i32
    %scan3A_96 = arith.constant 0 : i32
    %scan3A_97 = arith.constant 625 : i32
    %scan3A_98 = arith.addi %scan3A_96, %scan3A_97 : i32
    %scan3A_99 = arith.constant 1 : i32
    scf.for %scan3A_151 = %scan3A_96 to %scan3A_98 step %scan3A_99  : i32 {
      %mul3A_152 = arith.constant 16 : i32
      %mul3A_153 = arith.muli %scan3A_151, %mul3A_152 : i32
      %get3A_154 = arith.index_cast %mul3A_153 : i32 to index
      %get3A_155 = tpu.vector_load %arg7[%get3A_154] {strides = array<i32>} : memref<10000xi32, #tpu.memory_space<vmem>>, vector<16xi32>,
      %gather3A = tpu.vector_load_idx %arg20[%get3A_155] : memref<10240xf32, #tpu.memory_space<vmem>>[vector<16xi32>], vector<16xf32>,
      %swap3A = arith.index_cast %mul3A_153 : i32 to index
      %swap3A_156 = tpu.vector_load %arg11[%swap3A] {strides = array<i32>} : memref<10000xf32, #tpu.memory_space<vmem>>, vector<16xf32>,
      tpu.vector_store %arg11[%swap3A], %gather3A {strides = array<i32>} : memref<10000xf32, #tpu.memory_space<vmem>>, vector<16xf32>,
    }
    %scan3A_100 = arith.constant 625 : i32
    %dma_start3A_101 = arith.constant 0 : i32
    %dma_start3A_102 = tpu.memref_slice %arg25[%dma_start3A_101] : memref<10240xf32, #tpu.memory_space<vmem_shared>> -> memref<10240xf32, #tpu.memory_space<vmem_shared>>
    tpu.enqueue_indirect_dma source(%arg11 : memref<10000xf32, #tpu.memory_space<vmem>>) target(%dma_start3A_102 : memref<10240xf32, #tpu.memory_space<vmem_shared>>) offsets(%arg9 : memref<10000xi32, #tpu.memory_space<vmem>>) semaphore(%arg29 : memref<!tpu.dma_semaphore, #tpu.memory_space<semaphore_mem>>) {add = true}
    %scan3A_103 = arith.constant 0 : i32
    %scan3A_104 = arith.constant 0 : i32
    %scan3A_105 = arith.constant 625 : i32
    %scan3A_106 = arith.addi %scan3A_104, %scan3A_105 : i32
    %scan3A_107 = arith.constant 1 : i32
    scf.for %scan3A_151 = %scan3A_104 to %scan3A_106 step %scan3A_107  : i32 {
      %mul3A_152 = arith.constant 16 : i32
      %mul3A_153 = arith.muli %scan3A_151, %mul3A_152 : i32
      %get3A_154 = arith.index_cast %mul3A_153 : i32 to index
      %get3A_155 = tpu.vector_load %arg8[%get3A_154] {strides = array<i32>} : memref<10000xi32, #tpu.memory_space<vmem>>, vector<16xi32>,
      %gather3A = tpu.vector_load_idx %arg20[%get3A_155] : memref<10240xf32, #tpu.memory_space<vmem>>[vector<16xi32>], vector<16xf32>,
      %swap3A = arith.index_cast %mul3A_153 : i32 to index
      %swap3A_156 = tpu.vector_load %arg12[%swap3A] {strides = array<i32>} : memref<10000xf32, #tpu.memory_space<vmem>>, vector<16xf32>,
      tpu.vector_store %arg12[%swap3A], %gather3A {strides = array<i32>} : memref<10000xf32, #tpu.memory_space<vmem>>, vector<16xf32>,
    }
    %scan3A_108 = arith.constant 625 : i32
    %dma_wait3A_109 = arith.constant 0 : i32
    %dma_wait3A_110 = tpu.memref_slice %arg25[%dma_wait3A_109] : memref<10240xf32, #tpu.memory_space<vmem_shared>> -> memref<10240xf32, #tpu.memory_space<vmem_shared>>
    tpu.wait_indirect_dma semaphore(%arg29 : memref<!tpu.dma_semaphore, #tpu.memory_space<semaphore_mem>>) src(%arg11 : memref<10000xf32, #tpu.memory_space<vmem>>) dst(%dma_wait3A_110 : memref<10240xf32, #tpu.memory_space<vmem_shared>>)
    "tpu.region"() ({
      %run_scoped3A = tpu.sem_alloc : memref<!tpu.dma_semaphore, #tpu.memory_space<semaphore_mem>>
      %dma_start3A_151 = arith.constant 0 : i32
      %dma_start3A_152 = tpu.memref_slice %arg25[%dma_start3A_151] : memref<10240xf32, #tpu.memory_space<vmem_shared>> -> memref<10240xf32, #tpu.memory_space<vmem_shared>>
      tpu.enqueue_indirect_dma source(%arg12 : memref<10000xf32, #tpu.memory_space<vmem>>) target(%dma_start3A_152 : memref<10240xf32, #tpu.memory_space<vmem_shared>>) offsets(%arg10 : memref<10000xi32, #tpu.memory_space<vmem>>) semaphore(%run_scoped3A : memref<!tpu.dma_semaphore, #tpu.memory_space<semaphore_mem>>) {add = true}
      %dma_wait3A_153 = arith.constant 0 : i32
      %dma_wait3A_154 = tpu.memref_slice %arg25[%dma_wait3A_153] : memref<10240xf32, #tpu.memory_space<vmem_shared>> -> memref<10240xf32, #tpu.memory_space<vmem_shared>>
      tpu.wait_indirect_dma semaphore(%run_scoped3A : memref<!tpu.dma_semaphore, #tpu.memory_space<semaphore_mem>>) src(%arg12 : memref<10000xf32, #tpu.memory_space<vmem>>) dst(%dma_wait3A_154 : memref<10240xf32, #tpu.memory_space<vmem_shared>>)
      tpu.yield
    }) : () -> ()
    %barrier3A_111 = arith.constant 0 : index
    tpu.barrier barrier_id(%barrier3A_111)
    "tpu.region"() ({
      %run_scoped3A = tpu.sem_alloc : memref<!tpu.dma_semaphore, #tpu.memory_space<semaphore_mem>>
      %dma_start3A_151 = tpu.memref_slice %arg25[%mul3A_0] : memref<10240xf32, #tpu.memory_space<vmem_shared>> -> memref<640xf32, #tpu.memory_space<vmem_shared>>
      %dma_start3A_152 = tpu.memref_slice %arg25[%mul3A_0] : memref<10240xf32, #tpu.memory_space<vmem_shared>> -> memref<640xf32, #tpu.memory_space<vmem_shared>>
      tpu.enqueue_dma source(%dma_start3A_152 : memref<640xf32, #tpu.memory_space<vmem_shared>>) target(%arg13 : memref<640xf32, #tpu.memory_space<vmem>>) target_semaphore(%run_scoped3A : memref<!tpu.dma_semaphore, #tpu.memory_space<semaphore_mem>>)
      %dma_wait3A_153 = tpu.memref_slice %arg25[%mul3A_0] : memref<10240xf32, #tpu.memory_space<vmem_shared>> -> memref<640xf32, #tpu.memory_space<vmem_shared>>
      %dma_wait3A_154 = tpu.memref_slice %arg25[%mul3A_0] : memref<10240xf32, #tpu.memory_space<vmem_shared>> -> memref<640xf32, #tpu.memory_space<vmem_shared>>
      tpu.wait_dma2 semaphore(%run_scoped3A : memref<!tpu.dma_semaphore, #tpu.memory_space<semaphore_mem>>) src(%dma_wait3A_154 : memref<640xf32, #tpu.memory_space<vmem_shared>>) dst(%arg13 : memref<640xf32, #tpu.memory_space<vmem>>)
      tpu.yield
    }) : () -> ()
    %scan3A_112 = arith.constant 0 : i32
    %scan3A_113 = arith.constant 0 : i32
    %scan3A_114 = arith.constant 40 : i32
    %scan3A_115 = arith.addi %scan3A_113, %scan3A_114 : i32
    %scan3A_116 = arith.constant 1 : i32
    scf.for %scan3A_151 = %scan3A_113 to %scan3A_115 step %scan3A_116  : i32 {
      %mul3A_152 = arith.constant 16 : i32
      %mul3A_153 = arith.muli %scan3A_151, %mul3A_152 : i32
      %get3A_154 = arith.index_cast %mul3A_153 : i32 to index
      %get3A_155 = tpu.vector_load %arg13[%get3A_154] {strides = array<i32>} : memref<640xf32, #tpu.memory_space<vmem>>, vector<16xf32>,
      %mul3A_156 = arith.constant 16 : i32
      %mul3A_157 = arith.muli %scan3A_151, %mul3A_156 : i32
      %get3A_158 = arith.index_cast %mul3A_157 : i32 to index
      %get3A_159 = tpu.vector_load %arg14[%get3A_158] {strides = array<i32>} : memref<640xf32, #tpu.memory_space<vmem>>, vector<16xf32>,
      %mul3A_160 = arith.constant 16 : i32
      %mul3A_161 = arith.muli %scan3A_151, %mul3A_160 : i32
      %get3A_162 = arith.index_cast %mul3A_161 : i32 to index
      %get3A_163 = tpu.vector_load %arg15[%get3A_162] {strides = array<i32>} : memref<640xf32, #tpu.memory_space<vmem>>, vector<16xf32>,
      %add3A_164 = arith.addf %get3A_155, %get3A_163 : vector<16xf32>
      %mul3A_165 = arith.mulf %get3A_159, %add3A_164 : vector<16xf32>
      %mul3A_166 = arith.mulf %get3A_159, %mul3A_165 : vector<16xf32>
      %mul3A_167 = arith.constant 16 : i32
      %mul3A_168 = arith.muli %scan3A_151, %mul3A_167 : i32
      %swap3A = arith.index_cast %mul3A_168 : i32 to index
      %swap3A_169 = tpu.vector_load %arg15[%swap3A] {strides = array<i32>} : memref<640xf32, #tpu.memory_space<vmem>>, vector<16xf32>,
      tpu.vector_store %arg15[%swap3A], %mul3A_166 {strides = array<i32>} : memref<640xf32, #tpu.memory_space<vmem>>, vector<16xf32>,
    }
    %scan3A_117 = arith.constant 40 : i32
    "tpu.region"() ({
      %run_scoped3A = tpu.sem_alloc : memref<!tpu.dma_semaphore, #tpu.memory_space<semaphore_mem>>
      %dma_start3A_151 = tpu.memref_slice %arg24[%mul3A_0] : memref<10240xf32, #tpu.memory_space<vmem_shared>> -> memref<640xf32, #tpu.memory_space<vmem_shared>>
      %dma_start3A_152 = tpu.memref_slice %arg24[%mul3A_0] : memref<10240xf32, #tpu.memory_space<vmem_shared>> -> memref<640xf32, #tpu.memory_space<vmem_shared>>
      tpu.enqueue_dma source(%arg15 : memref<640xf32, #tpu.memory_space<vmem>>) target(%dma_start3A_152 : memref<640xf32, #tpu.memory_space<vmem_shared>>) target_semaphore(%run_scoped3A : memref<!tpu.dma_semaphore, #tpu.memory_space<semaphore_mem>>)
      %dma_wait3A_153 = tpu.memref_slice %arg24[%mul3A_0] : memref<10240xf32, #tpu.memory_space<vmem_shared>> -> memref<640xf32, #tpu.memory_space<vmem_shared>>
      %dma_wait3A_154 = tpu.memref_slice %arg24[%mul3A_0] : memref<10240xf32, #tpu.memory_space<vmem_shared>> -> memref<640xf32, #tpu.memory_space<vmem_shared>>
      tpu.wait_dma2 semaphore(%run_scoped3A : memref<!tpu.dma_semaphore, #tpu.memory_space<semaphore_mem>>) src(%arg15 : memref<640xf32, #tpu.memory_space<vmem>>) dst(%dma_wait3A_154 : memref<640xf32, #tpu.memory_space<vmem_shared>>)
      tpu.yield
    }) : () -> ()
    %barrier3A_118 = arith.constant 0 : index
    tpu.barrier barrier_id(%barrier3A_118)
    "tpu.region"() ({
      %run_scoped3A = tpu.sem_alloc : memref<!tpu.dma_semaphore, #tpu.memory_space<semaphore_mem>>
      tpu.enqueue_dma source(%arg24 : memref<10240xf32, #tpu.memory_space<vmem_shared>>) target(%arg20 : memref<10240xf32, #tpu.memory_space<vmem>>) target_semaphore(%run_scoped3A : memref<!tpu.dma_semaphore, #tpu.memory_space<semaphore_mem>>)
      tpu.wait_dma2 semaphore(%run_scoped3A : memref<!tpu.dma_semaphore, #tpu.memory_space<semaphore_mem>>) src(%arg24 : memref<10240xf32, #tpu.memory_space<vmem_shared>>) dst(%arg20 : memref<10240xf32, #tpu.memory_space<vmem>>)
      tpu.yield
    }) : () -> ()
    %scan3A_119 = arith.constant 0 : i32
    %scan3A_120 = arith.constant 0 : i32
    %scan3A_121 = arith.constant 625 : i32
    %scan3A_122 = arith.addi %scan3A_120, %scan3A_121 : i32
    %scan3A_123 = arith.constant 1 : i32
    scf.for %scan3A_151 = %scan3A_120 to %scan3A_122 step %scan3A_123  : i32 {
      %mul3A_152 = arith.constant 16 : i32
      %mul3A_153 = arith.muli %scan3A_151, %mul3A_152 : i32
      %get3A_154 = arith.index_cast %mul3A_153 : i32 to index
      %get3A_155 = tpu.vector_load %arg7[%get3A_154] {strides = array<i32>} : memref<10000xi32, #tpu.memory_space<vmem>>, vector<16xi32>,
      %gather3A = tpu.vector_load_idx %arg20[%get3A_155] : memref<10240xf32, #tpu.memory_space<vmem>>[vector<16xi32>], vector<16xf32>,
      %swap3A = arith.index_cast %mul3A_153 : i32 to index
      %swap3A_156 = tpu.vector_load %arg11[%swap3A] {strides = array<i32>} : memref<10000xf32, #tpu.memory_space<vmem>>, vector<16xf32>,
      tpu.vector_store %arg11[%swap3A], %gather3A {strides = array<i32>} : memref<10000xf32, #tpu.memory_space<vmem>>, vector<16xf32>,
    }
    %scan3A_124 = arith.constant 625 : i32
    %dma_start3A_125 = arith.constant 0 : i32
    %dma_start3A_126 = tpu.memref_slice %arg26[%dma_start3A_125] : memref<10240xf32, #tpu.memory_space<vmem_shared>> -> memref<10240xf32, #tpu.memory_space<vmem_shared>>
    tpu.enqueue_indirect_dma source(%arg11 : memref<10000xf32, #tpu.memory_space<vmem>>) target(%dma_start3A_126 : memref<10240xf32, #tpu.memory_space<vmem_shared>>) offsets(%arg9 : memref<10000xi32, #tpu.memory_space<vmem>>) semaphore(%arg29 : memref<!tpu.dma_semaphore, #tpu.memory_space<semaphore_mem>>) {add = true}
    %scan3A_127 = arith.constant 0 : i32
    %scan3A_128 = arith.constant 0 : i32
    %scan3A_129 = arith.constant 625 : i32
    %scan3A_130 = arith.addi %scan3A_128, %scan3A_129 : i32
    %scan3A_131 = arith.constant 1 : i32
    scf.for %scan3A_151 = %scan3A_128 to %scan3A_130 step %scan3A_131  : i32 {
      %mul3A_152 = arith.constant 16 : i32
      %mul3A_153 = arith.muli %scan3A_151, %mul3A_152 : i32
      %get3A_154 = arith.index_cast %mul3A_153 : i32 to index
      %get3A_155 = tpu.vector_load %arg8[%get3A_154] {strides = array<i32>} : memref<10000xi32, #tpu.memory_space<vmem>>, vector<16xi32>,
      %gather3A = tpu.vector_load_idx %arg20[%get3A_155] : memref<10240xf32, #tpu.memory_space<vmem>>[vector<16xi32>], vector<16xf32>,
      %swap3A = arith.index_cast %mul3A_153 : i32 to index
      %swap3A_156 = tpu.vector_load %arg12[%swap3A] {strides = array<i32>} : memref<10000xf32, #tpu.memory_space<vmem>>, vector<16xf32>,
      tpu.vector_store %arg12[%swap3A], %gather3A {strides = array<i32>} : memref<10000xf32, #tpu.memory_space<vmem>>, vector<16xf32>,
    }
    %scan3A_132 = arith.constant 625 : i32
    %dma_wait3A_133 = arith.constant 0 : i32
    %dma_wait3A_134 = tpu.memref_slice %arg26[%dma_wait3A_133] : memref<10240xf32, #tpu.memory_space<vmem_shared>> -> memref<10240xf32, #tpu.memory_space<vmem_shared>>
    tpu.wait_indirect_dma semaphore(%arg29 : memref<!tpu.dma_semaphore, #tpu.memory_space<semaphore_mem>>) src(%arg11 : memref<10000xf32, #tpu.memory_space<vmem>>) dst(%dma_wait3A_134 : memref<10240xf32, #tpu.memory_space<vmem_shared>>)
    "tpu.region"() ({
      %run_scoped3A = tpu.sem_alloc : memref<!tpu.dma_semaphore, #tpu.memory_space<semaphore_mem>>
      %dma_start3A_151 = arith.constant 0 : i32
      %dma_start3A_152 = tpu.memref_slice %arg26[%dma_start3A_151] : memref<10240xf32, #tpu.memory_space<vmem_shared>> -> memref<10240xf32, #tpu.memory_space<vmem_shared>>
      tpu.enqueue_indirect_dma source(%arg12 : memref<10000xf32, #tpu.memory_space<vmem>>) target(%dma_start3A_152 : memref<10240xf32, #tpu.memory_space<vmem_shared>>) offsets(%arg10 : memref<10000xi32, #tpu.memory_space<vmem>>) semaphore(%run_scoped3A : memref<!tpu.dma_semaphore, #tpu.memory_space<semaphore_mem>>) {add = true}
      %dma_wait3A_153 = arith.constant 0 : i32
      %dma_wait3A_154 = tpu.memref_slice %arg26[%dma_wait3A_153] : memref<10240xf32, #tpu.memory_space<vmem_shared>> -> memref<10240xf32, #tpu.memory_space<vmem_shared>>
      tpu.wait_indirect_dma semaphore(%run_scoped3A : memref<!tpu.dma_semaphore, #tpu.memory_space<semaphore_mem>>) src(%arg12 : memref<10000xf32, #tpu.memory_space<vmem>>) dst(%dma_wait3A_154 : memref<10240xf32, #tpu.memory_space<vmem_shared>>)
      tpu.yield
    }) : () -> ()
    %barrier3A_135 = arith.constant 0 : index
    tpu.barrier barrier_id(%barrier3A_135)
    "tpu.region"() ({
      %run_scoped3A = tpu.sem_alloc : memref<!tpu.dma_semaphore, #tpu.memory_space<semaphore_mem>>
      %dma_start3A_151 = tpu.memref_slice %arg26[%mul3A_0] : memref<10240xf32, #tpu.memory_space<vmem_shared>> -> memref<640xf32, #tpu.memory_space<vmem_shared>>
      %dma_start3A_152 = tpu.memref_slice %arg26[%mul3A_0] : memref<10240xf32, #tpu.memory_space<vmem_shared>> -> memref<640xf32, #tpu.memory_space<vmem_shared>>
      tpu.enqueue_dma source(%dma_start3A_152 : memref<640xf32, #tpu.memory_space<vmem_shared>>) target(%arg13 : memref<640xf32, #tpu.memory_space<vmem>>) target_semaphore(%run_scoped3A : memref<!tpu.dma_semaphore, #tpu.memory_space<semaphore_mem>>)
      %dma_wait3A_153 = tpu.memref_slice %arg26[%mul3A_0] : memref<10240xf32, #tpu.memory_space<vmem_shared>> -> memref<640xf32, #tpu.memory_space<vmem_shared>>
      %dma_wait3A_154 = tpu.memref_slice %arg26[%mul3A_0] : memref<10240xf32, #tpu.memory_space<vmem_shared>> -> memref<640xf32, #tpu.memory_space<vmem_shared>>
      tpu.wait_dma2 semaphore(%run_scoped3A : memref<!tpu.dma_semaphore, #tpu.memory_space<semaphore_mem>>) src(%dma_wait3A_154 : memref<640xf32, #tpu.memory_space<vmem_shared>>) dst(%arg13 : memref<640xf32, #tpu.memory_space<vmem>>)
      tpu.yield
    }) : () -> ()
    %scan3A_136 = arith.constant 0 : i32
    %scan3A_137 = arith.constant 0 : i32
    %scan3A_138 = arith.constant 40 : i32
    %scan3A_139 = arith.addi %scan3A_137, %scan3A_138 : i32
    %scan3A_140 = arith.constant 1 : i32
    scf.for %scan3A_151 = %scan3A_137 to %scan3A_139 step %scan3A_140  : i32 {
      %mul3A_152 = arith.constant 16 : i32
      %mul3A_153 = arith.muli %scan3A_151, %mul3A_152 : i32
      %get3A_154 = arith.index_cast %mul3A_153 : i32 to index
      %get3A_155 = tpu.vector_load %arg13[%get3A_154] {strides = array<i32>} : memref<640xf32, #tpu.memory_space<vmem>>, vector<16xf32>,
      %mul3A_156 = arith.constant 16 : i32
      %mul3A_157 = arith.muli %scan3A_151, %mul3A_156 : i32
      %get3A_158 = arith.index_cast %mul3A_157 : i32 to index
      %get3A_159 = tpu.vector_load %arg14[%get3A_158] {strides = array<i32>} : memref<640xf32, #tpu.memory_space<vmem>>, vector<16xf32>,
      %mul3A_160 = arith.constant 16 : i32
      %mul3A_161 = arith.muli %scan3A_151, %mul3A_160 : i32
      %get3A_162 = arith.index_cast %mul3A_161 : i32 to index
      %get3A_163 = tpu.vector_load %arg15[%get3A_162] {strides = array<i32>} : memref<640xf32, #tpu.memory_space<vmem>>, vector<16xf32>,
      %add3A_164 = arith.addf %get3A_155, %get3A_163 : vector<16xf32>
      %mul3A_165 = arith.mulf %get3A_159, %add3A_164 : vector<16xf32>
      %mul3A_166 = arith.constant 16 : i32
      %mul3A_167 = arith.muli %scan3A_151, %mul3A_166 : i32
      %swap3A = arith.index_cast %mul3A_167 : i32 to index
      %swap3A_168 = tpu.vector_load %arg16[%swap3A] {strides = array<i32>} : memref<640xf32, #tpu.memory_space<vmem>>, vector<16xf32>,
      tpu.vector_store %arg16[%swap3A], %mul3A_165 {strides = array<i32>} : memref<640xf32, #tpu.memory_space<vmem>>, vector<16xf32>,
    }
    %scan3A_141 = arith.constant 40 : i32
    %mul3A_142 = arith.constant 320 : i32
    %mul3A_143 = arith.muli %arg0, %mul3A_142 : i32
    %add3A_144 = arith.addi %mul3A_0, %mul3A_143 : i32
    %scan3A_145 = arith.constant 0 : i32
    %scan3A_146 = arith.constant 0 : i32
    %scan3A_147 = arith.constant 4 : i32
    %scan3A_148 = arith.addi %scan3A_146, %scan3A_147 : i32
    %scan3A_149 = arith.constant 1 : i32
    scf.for %scan3A_151 = %scan3A_146 to %scan3A_148 step %scan3A_149  : i32 {
      %mul3A_152 = arith.constant 80 : i32
      %mul3A_153 = arith.muli %scan3A_151, %mul3A_152 : i32
      %add3A_154 = arith.addi %add3A_144, %mul3A_153 : i32
      %lt3A = arith.constant 10000 : i32
      %lt3A_155 = arith.cmpi slt, %add3A_154, %lt3A : i32
      %convert_element_type3A = arith.extui %lt3A_155 : i1 to i32
      %cond3A = arith.constant 0 : i32
      %cond3A_156 = arith.cmpi ne, %convert_element_type3A, %cond3A : i32
      scf.if %cond3A_156 {
        %scan3A_157 = arith.constant 0 : i32
        %scan3A_158 = arith.constant 0 : i32
        %scan3A_159 = arith.constant 80 : i32
        %scan3A_160 = arith.addi %scan3A_158, %scan3A_159 : i32
        %scan3A_161 = arith.constant 1 : i32
        scf.for %scan3A_166 = %scan3A_158 to %scan3A_160 step %scan3A_161  : i32 {
          %mul3A_167 = arith.constant 320 : i32
          %mul3A_168 = arith.muli %arg0, %mul3A_167 : i32
          %mul3A_169 = arith.constant 80 : i32
          %mul3A_170 = arith.muli %scan3A_151, %mul3A_169 : i32
          %add3A_171 = arith.addi %mul3A_168, %mul3A_170 : i32
          %add3A_172 = arith.addi %add3A_171, %scan3A_166 : i32
          %broadcast_in_dim3A_173 = vector.broadcast %add3A_172 : i32 to vector<16xi32>
          %gather3A = tpu.vector_load_idx %arg16[%broadcast_in_dim3A_173] : memref<640xf32, #tpu.memory_space<vmem>>[vector<16xi32>], vector<16xf32>,
          %mul3A_174 = arith.mulf %gather3A, %scan3A_70#0 : vector<16xf32>
          %add3A_175 = arith.addf %mul3A_174, %get3A_72 : vector<16xf32>
          %max3A = arith.constant 0.000000e+00 : f32
          %max3A_176 = vector.broadcast %max3A : f32 to vector<16xf32>
          %max3A_177 = arith.maximumf %add3A_175, %max3A_176 : vector<16xf32>
          %swap3A = arith.index_cast %scan3A_166 : i32 to index
          %swap3A_178 = arith.constant 0 : index
          %swap3A_179 = tpu.vector_load %arg21[%swap3A, %swap3A_178] {strides = array<i32>} : memref<80x64xf32, #tpu.memory_space<vmem>>, vector<16xf32>,
          tpu.vector_store %arg21[%swap3A, %swap3A_178], %max3A_177 {strides = array<i32>} : memref<80x64xf32, #tpu.memory_space<vmem>>, vector<16xf32>,
          %mul3A_180 = arith.mulf %gather3A, %scan3A_70#1 : vector<16xf32>
          %add3A_181 = arith.addf %mul3A_180, %get3A_74 : vector<16xf32>
          %max3A_182 = arith.constant 0.000000e+00 : f32
          %max3A_183 = vector.broadcast %max3A_182 : f32 to vector<16xf32>
          %max3A_184 = arith.maximumf %add3A_181, %max3A_183 : vector<16xf32>
          %swap3A_185 = arith.index_cast %scan3A_166 : i32 to index
          %swap3A_186 = arith.constant 16 : index
          %swap3A_187 = tpu.vector_load %arg21[%swap3A_185, %swap3A_186] {strides = array<i32>} : memref<80x64xf32, #tpu.memory_space<vmem>>, vector<16xf32>,
          tpu.vector_store %arg21[%swap3A_185, %swap3A_186], %max3A_184 {strides = array<i32>} : memref<80x64xf32, #tpu.memory_space<vmem>>, vector<16xf32>,
          %mul3A_188 = arith.mulf %gather3A, %scan3A_70#2 : vector<16xf32>
          %add3A_189 = arith.addf %mul3A_188, %get3A_76 : vector<16xf32>
          %max3A_190 = arith.constant 0.000000e+00 : f32
          %max3A_191 = vector.broadcast %max3A_190 : f32 to vector<16xf32>
          %max3A_192 = arith.maximumf %add3A_189, %max3A_191 : vector<16xf32>
          %swap3A_193 = arith.index_cast %scan3A_166 : i32 to index
          %swap3A_194 = arith.constant 32 : index
          %swap3A_195 = tpu.vector_load %arg21[%swap3A_193, %swap3A_194] {strides = array<i32>} : memref<80x64xf32, #tpu.memory_space<vmem>>, vector<16xf32>,
          tpu.vector_store %arg21[%swap3A_193, %swap3A_194], %max3A_192 {strides = array<i32>} : memref<80x64xf32, #tpu.memory_space<vmem>>, vector<16xf32>,
          %mul3A_196 = arith.mulf %gather3A, %scan3A_70#3 : vector<16xf32>
          %add3A_197 = arith.addf %mul3A_196, %get3A_78 : vector<16xf32>
          %max3A_198 = arith.constant 0.000000e+00 : f32
          %max3A_199 = vector.broadcast %max3A_198 : f32 to vector<16xf32>
          %max3A_200 = arith.maximumf %add3A_197, %max3A_199 : vector<16xf32>
          %swap3A_201 = arith.index_cast %scan3A_166 : i32 to index
          %swap3A_202 = arith.constant 48 : index
          %swap3A_203 = tpu.vector_load %arg21[%swap3A_201, %swap3A_202] {strides = array<i32>} : memref<80x64xf32, #tpu.memory_space<vmem>>, vector<16xf32>,
          tpu.vector_store %arg21[%swap3A_201, %swap3A_202], %max3A_200 {strides = array<i32>} : memref<80x64xf32, #tpu.memory_space<vmem>>, vector<16xf32>,
        }
        %scan3A_162 = arith.constant 80 : i32
        %mul3A_163 = arith.constant 80 : i32
        %mul3A_164 = arith.muli %scan3A_151, %mul3A_163 : i32
        %add3A_165 = arith.addi %add3A_144, %mul3A_164 : i32
        "tpu.region"() ({
          %run_scoped3A = tpu.sem_alloc : memref<!tpu.dma_semaphore, #tpu.memory_space<semaphore_mem>>
          %dma_start3A_166 = arith.constant 0 : i32
          %dma_start3A_167 = tpu.memref_slice %arg6[%add3A_165, %dma_start3A_166] : memref<10000x64xf32, #tpu.memory_space<hbm>> -> memref<80x64xf32, #tpu.memory_space<hbm>>
          %dma_start3A_168 = arith.constant 0 : i32
          %dma_start3A_169 = tpu.memref_slice %arg6[%add3A_165, %dma_start3A_168] : memref<10000x64xf32, #tpu.memory_space<hbm>> -> memref<80x64xf32, #tpu.memory_space<hbm>>
          tpu.enqueue_dma source(%arg21 : memref<80x64xf32, #tpu.memory_space<vmem>>) target(%dma_start3A_169 : memref<80x64xf32, #tpu.memory_space<hbm>>) target_semaphore(%run_scoped3A : memref<!tpu.dma_semaphore, #tpu.memory_space<semaphore_mem>>)
          %dma_wait3A_170 = arith.constant 0 : i32
          %dma_wait3A_171 = tpu.memref_slice %arg6[%add3A_165, %dma_wait3A_170] : memref<10000x64xf32, #tpu.memory_space<hbm>> -> memref<80x64xf32, #tpu.memory_space<hbm>>
          %dma_wait3A_172 = arith.constant 0 : i32
          %dma_wait3A_173 = tpu.memref_slice %arg6[%add3A_165, %dma_wait3A_172] : memref<10000x64xf32, #tpu.memory_space<hbm>> -> memref<80x64xf32, #tpu.memory_space<hbm>>
          tpu.wait_dma2 semaphore(%run_scoped3A : memref<!tpu.dma_semaphore, #tpu.memory_space<semaphore_mem>>) src(%arg21 : memref<80x64xf32, #tpu.memory_space<vmem>>) dst(%dma_wait3A_173 : memref<80x64xf32, #tpu.memory_space<hbm>>)
          tpu.yield
        }) : () -> ()
      } else {
      }
    }
    %scan3A_150 = arith.constant 4 : i32
    return
  }
}

</mosaic_0001>

<sc_bundles>
// kernel: kernel.3.cloned.1.call-start
scs
__scs_entry_jumppad:
0x0: {  	(pc) =	sbr.rel $0x88, $3  }
0x1: {  	(tag) =	ssettag $0x0;
	lr =	simm.s32 $0x1  }
0x2: {  	[smem:$0x3F9D] =	sst lr;
	_ =	strace $0xD0000000  }
0x3: {  	_ = 	snop  }
0x4: {  	_ = 	snop  }
0x5: {  	_ = 	snop  }
0x6: {  	_ = 	snop  }
0x7: {  	_ = 	snop  }
__scs_overlays_trampoline_lowered:
0x8: {  	[smem:$0x3FAC] =	sst s0  }
0x9: {  	[smem:$0x3FAD] =	sst s1  }
0xa: {  	[smem:$0x3FAE] =	sst s2  }
0xb: {  	[smem:$0x3FAF] =	sst s3  }
0xc: {  	[smem:$0x3FB0] =	sst s4  }
0xd: {  	[smem:$0x3FB1] =	sst s5  }
0xe: {  	[smem:$0x3FB2] =	sst s6  }
0xf: {  	[smem:$0x3FB3] =	sst s7  }
0x10: {  	[smem:$0x3FB4] =	sst s8  }
0x11: {  	[smem:$0x3FB5] =	sst s9;
	s0 =	simm.s32 @!p0 $0x0  }
0x12: {  	s1 =	sld [smem:$0x3F9B];
	s0 =	simm.s32 @p0 $0x1  }
0x13: {  	[smem:$0x3FB6] =	sst s0;
	s0 =	simm.s32 @!p1 $0x0  }
0x14: {  	s2 =	sld [smem:$0x3F9A];
	s0 =	simm.s32 @p1 $0x1  }
0x15: {  	[smem:$0x3FB7] =	sst s0;
	s0 =	simm.s32 @!p2 $0x0  }
0x16: {  	s3 =	sld [smem:$0x3FDB];
	s0 =	simm.s32 @p2 $0x1  }
0x17: {  	s4 =	simm.s32 $0x1BF5;
	[smem:$0x3FB9] =	sst s0  }
0x18: {  	s0 =	sld [smem:$0x3F9C];
	_ =	swait.ge [sflag:s4], $0x0  }
0x19: {  	s7 =	sld [smem:$0x3F9D]  }
0x1a: {  	s8 =	sadd.s32 $0xFFFFE003, lr  }
0x1b: {  	s9 =	sadd.s32 $0xFFFFFEF7, lr;
	s5 =	simm.s32 $0xFFFFFFFF;
	p2 =	slt.u32 s8, $0xFFFFF086  }
0x1c: {  	p1 =	slt.u32 s9, $0xF7A;
	s5 =	simm.s32 @!p2 $0x0  }
0x1d: {  	s5 =	simm.s32 @p1 $0x1;
	p0 =	seq.s32 s7, s2  }
0x1e: {  	s7 =	smul.u32 @!p0 $0xF7A, s2;
	p2 =	seq.s32 @!p0 s5, $0x0  }
0x1f: {  	s9 =	smul.u32 $0xF7A, s1;
	s8 =	simm.s32 @!p0 $0x1BF5;
	p2 =	por !p2, p0  }
0x20: {  	[sflag:s8] =	ssyncset.s32 @!p0 $0xFFFFF086;
	s6 =	sadd.s32 @!p0 s3, s7;
	s7 =	simm.s32 @!p0 $0x108  }
0x21: {  	s3 =	sadd.s32 s3, s9;
	s6 =	sadd.s32 @!p0 $0x88, s6;
	s7 =	simm.s32 @p2 $0x1082  }
0x22: {  	[simem:s7], [sflag:s8] =	dma.local @!p0 [hbm:s6], $0xF7A  }
0x23: {  	s9 =	sor.u32 $0xD0000000, s2;
	s6 =	simm.s32 $0x108;
	_ =	swait.ge @!p0 [sflag:s8], $0x0  }
0x24: {  	s3 =	sadd.s32 $0x88, s3;
	s6 =	simm.s32 @!p1 $0x1082;
	[sflag:s4] =	ssyncset.s32 $0xFFFFF086  }
0x25: {  	[simem:s6], [sflag:s4] =	dma.local [hbm:s3], $0xF7A  }
0x26: {  	[smem:$0x3F9D] =	sst s1;
	(tag) =	ssettag s2;
	_ =	strace s9  }
0x27: {  	s1 =	sld [smem:$0x3FAD]  }
0x28: {  	s2 =	sld [smem:$0x3FAE]  }
0x29: {  	s4 =	sld [smem:$0x3FB0]  }
0x2a: {  	p0 =	seq.s32 s5, $0x0;
	s5 =	sld [smem:$0x3FB1]  }
0x2b: {  	s6 =	sld [smem:$0x3FB2]  }
0x2c: {  	s7 =	sld [smem:$0x3FB3]  }
0x2d: {  	s3 =	simm.s32 $0x108;
	s8 =	sld [smem:$0x3FB4]  }
0x2e: {  	s3 =	simm.s32 @!p0 $0x1082;
	s9 =	sld [smem:$0x3FB5]  }
0x2f: {  	lr =	sadd.s32 s0, s3;
	s0 =	sld [smem:$0x3FAC]  }
0x30: {  	s3 =	sld [smem:$0x3FAF]  }
0x31: {  	[smem:$0x3FB8] =	sst s10  }
0x32: {  	s10 =	sld [smem:$0x3FB6];
	_ =	sdelay $0x3  }
0x33: {  	p0 =	seq.s32 s10, $0x1;
	s10 =	sld [smem:$0x3FB8];
	_ =	sdelay $0x3  }
0x34: {  	[smem:$0x3FB8] =	sst s10  }
0x35: {  	s10 =	sld [smem:$0x3FB7];
	_ =	sdelay $0x3  }
0x36: {  	p1 =	seq.s32 s10, $0x1;
	s10 =	sld [smem:$0x3FB8];
	_ =	sdelay $0x3  }
0x37: {  	[smem:$0x3FB8] =	sst s10  }
0x38: {  	s10 =	sld [smem:$0x3FB9]  }
0x39: {  	_ = 	snop;
	(pc) =	sbr.ind lr, $3  }
0x3a: {  	_ = 	snop  }
0x3b: {  	_ = 	snop  }
0x3c: {  	p2 =	seq.s32 s10, $0x1;
	s10 =	sld [smem:$0x3FB8]  }
0x3d: {  	_ =	shalt  }
0x3e: {  	_ =	shalt  }
0x3f: {  	_ =	shalt  }
0x40: {  	_ =	shalt  }
0x41: {  	_ =	shalt  }
0x42: {  	_ =	shalt  }
0x43: {  	_ =	shalt  }
0x44: {  	_ =	shalt  }
0x45: {  	_ =	shalt  }
0x46: {  	_ =	shalt  }
0x47: {  	_ =	shalt  }
0x48: {  	_ =	shalt  }
0x49: {  	_ =	shalt  }
0x4a: {  	_ =	shalt  }
0x4b: {  	_ =	shalt  }
0x4c: {  	_ =	shalt  }
0x4d: {  	_ =	shalt  }
0x4e: {  	_ =	shalt  }
0x4f: {  	_ =	shalt  }
0x50: {  	_ =	shalt  }
0x51: {  	_ =	shalt  }
0x52: {  	_ =	shalt  }
0x53: {  	_ =	shalt  }
0x54: {  	_ =	shalt  }
0x55: {  	_ =	shalt  }
0x56: {  	_ =	shalt  }
0x57: {  	_ =	shalt  }
0x58: {  	_ =	shalt  }
0x59: {  	_ =	shalt  }
0x5a: {  	_ =	shalt  }
0x5b: {  	_ =	shalt  }
0x5c: {  	_ =	shalt  }
0x5d: {  	_ =	shalt  }
0x5e: {  	_ =	shalt  }
0x5f: {  	_ =	shalt  }
0x60: {  	_ =	shalt  }
0x61: {  	_ =	shalt  }
0x62: {  	_ =	shalt  }
0x63: {  	_ =	shalt  }
0x64: {  	_ =	shalt  }
0x65: {  	_ =	shalt  }
0x66: {  	_ =	shalt  }
0x67: {  	_ =	shalt  }
0x68: {  	_ =	shalt  }
0x69: {  	_ =	shalt  }
0x6a: {  	_ =	shalt  }
0x6b: {  	_ =	shalt  }
0x6c: {  	_ =	shalt  }
0x6d: {  	_ =	shalt  }
0x6e: {  	_ =	shalt  }
0x6f: {  	_ =	shalt  }
0x70: {  	_ =	shalt  }
0x71: {  	_ =	shalt  }
0x72: {  	_ =	shalt  }
0x73: {  	_ =	shalt  }
0x74: {  	_ =	shalt  }
0x75: {  	_ =	shalt  }
0x76: {  	_ =	shalt  }
0x77: {  	_ =	shalt  }
0x78: {  	_ =	shalt  }
0x79: {  	_ =	shalt  }
0x7a: {  	_ =	shalt  }
0x7b: {  	_ =	shalt  }
0x7c: {  	_ =	shalt  }
0x7d: {  	_ =	shalt  }
0x7e: {  	_ =	shalt  }
0x7f: {  	_ =	shalt  }
0x80: {  	_ =	shalt  }
0x81: {  	_ =	shalt  }
0x82: {  	_ =	shalt  }
0x83: {  	_ =	shalt  }
0x84: {  	_ =	shalt  }
0x85: {  	_ =	shalt  }
0x86: {  	_ =	shalt  }
0x87: {  	_ =	shalt  }
.Lfunc_end0:
.L_simem_size_0:
called_computation_lowered:
.L_overlay_start_0:
0x88: {  	s2 =	sld [smem:$0x3FD9]  }
0x89: {  	s3 =	sld [smem:$0x3FFE];
	_ =	sdelay $0x1  }
0x8a: {  	s1 =	srdreg.scid  }
0x8b: {  	s0 =	sand.u32 $0x1, s1  }
0x8c: {  	s17 =	sshll.u32 s0, $0xA;
	s2 =	sadd.s32 s3, s2  }
0x8d: {  	s2 =	sadd.s32 s2, s17  }
0x8e: {  	[smem:$0x3FC4] =	sst s2  }
0x8f: {  	_ = 	snop  }
0x90: {  	s2 =	sld [smem:$0x3FC8]  }
0x91: {  	s18 =	sld [smem:$0x3FC6]  }
0x92: {  	s4 =	sld [smem:$0x3FD0];
	(tm) =	ssettm $0x1  }
0x93: {  	s5 =	sld [smem:$0x3FFB];
	_ =	sdelay $0x3  }
0x94: {  	_ =	strace s5  }
0x95: {  	s5 =	sld [smem:$0x3FFC];
	_ =	sdelay $0x3  }
0x96: {  	_ =	strace s5  }
0x97: {  	s5 =	sld [smem:$0x3FFD];
	_ =	sdelay $0x3  }
0x98: {  	_ =	strace s5  }
0x99: {  	_ =	strace $0x8FFFFFFF  }
0x9a: {  	s19 =	sld [smem:$0x3FDB];
	_ =	sdelay $0x1  }
0x9b: {  	s6 =	simm.s32 $_scs_section_size  }
0x9c: {  	s7 =	simm.s32 $_size__tile_overlayer_lowered;
	s8 =	simm.s32 $_tile_overlayer_lowered  }
0x9d: {  	s22 =	simm.s32 $0x1BFF;
	s21 =	sshll.u32 s8, $0x1;
	s5 =	sadd.s32 s6, s19  }
0x9e: {  	s9 =	simm.s32 $0x0;
	s20 =	sshll.u32 s7, $0x1;
	s7 =	sadd.s32 s21, s5  }
0x9f: {  	[timem:s9], [sflag:s22] =	dma.local [hbm:s7], s20  }
0xa0: {  	_ =	swait.ge [sflag:s22], s20  }
0xa1: {  	s6 =	ssub.s32 $0x0, s20;
	[sflag:s22] =	ssyncset.done $0x0  }
0xa2: {  	[sflag:s22] =	ssyncadd.s32 s6;
	_ =	sdelay $0x1  }
0xa3: {  	s23 =	simm.s32 $0x1B8B  }
0xa4: {  	_ =	swait.ge [sflag:s23], $0x1  }
0xa5: {  	[sflag:s23] =	ssyncset.done $0x0  }
0xa6: {  	s25 =	simm.s32 $0x1B8E;
	s24 =	sld [smem:$0x3FFE];
	[sflag:s23] =	ssyncadd.s32 $0xFFFFFFFF  }
0xa7: {  	s26 =	simm.s32 $execute0_lowered;
	[smem:$0x3FD2] =	sst s25  }
0xa8: {  	s7 =	sshll.u32 s26, $0x1;
	_ =	strace $0x80000046;
	[dreg:$0x1] =	wrdreg $0xFFFFFFFF  }
0xa9: {  	s28 =	simm.s32 $_size_execute0_lowered;
	s5 =	sadd.s32 s5, s7;
	[dreg:$0x0] =	wrdreg $0x0  }
0xaa: {  	s7 =	sshll.u32 s28, $0x1;
	[dreg:$0x2] =	wrdreg s5  }
0xab: {  	[dreg:$0x3] =	wrdreg s7  }
0xac: {  	[dreg:$0x4] =	wrdreg $0xC0  }
0xad: {  	_ =	task [dreg:s9], $0x5FFFF  }
0xae: {  	[dreg:$0x1] =	wrdreg $0xFFFFFFFF  }
0xaf: {  	[dreg:$0x0] =	wrdreg $0x60  }
0xb0: {  	[dreg:$0x2] =	wrdreg s4  }
0xb1: {  	[dreg:$0x3] =	wrdreg s2  }
0xb2: {  	[dreg:$0x4] =	wrdreg s24  }
0xb3: {  	[dreg:$0x5] =	wrdreg s18  }
0xb4: {  	[dreg:$0x6] =	wrdreg $0x151200  }
0xb5: {  	[dreg:$0x7] =	wrdreg $0x153A00  }
0xb6: {  	[dreg:$0x8] =	wrdreg $0x158A00  }
0xb7: {  	[dreg:$0x9] =	wrdreg $0x15B200  }
0xb8: {  	[dreg:$0xa] =	wrdreg $0x156200  }
0xb9: {  	[dreg:$0xb] =	wrdreg $0x9  }
0xba: {  	_ =	task.clear_ibuf [dreg:s9], $0xCFFFF;
	_ =	strace $0x90000046  }
0xbb: {  	s29 =	simm.s32 $0x9;
	_ =	strace $0x80000048  }
0xbc: {  	_ =	swait.ge [sflag:s29], $0x1  }
0xbd: {  	[sflag:s29] =	ssyncadd.s32 $0xFFFFFFFF  }
0xbe: {  	_ =	strace $0x90000048  }
0xbf: {  	_ =	sfence  }
0xc0: {  	s30 =	sld [smem:$0x0];
	_ =	sdelay $0x2  }
0xc1: {  	s31 =	sshll.u32 s1, $0xD;
	s1 =	sshrl.u32 s1, $0x2  }
0xc2: {  	s3 =	sand.u32 $0x4000, s31;
	s1 =	sadd.s32 s1, s30  }
0xc3: {  	s0 =	sor.u32 s3, s0;
	s1 =	sshll.u32 s1, $0x11  }
0xc4: {  	s0 =	sor.u32 s1, s0  }
0xc5: {  	s0 =	sadd.s32 $0x8F2B, s0  }
0xc6: {  	[sflag:s0] =	ssyncadd.remote.s32 $0x1  }
0xc7: {  	_ =	sfence.sel $0xFFFF  }
0xc8: {  	[dreg:$0x0] =	wrdreg $0xFFFFFFFF;
	(pc) =	sbr.abs _section_cstart, $3  }
0xc9: {  	[dreg:$0x1] =	wrdreg $0xFFFFFFFF  }
0xca: {  	_ =	task.clear_ibuf [dreg:s9], $0x2FFFF;
	_ =	strace $0x9FFFFFFF  }
0xcb: {  	(tm) =	ssettm $0x7FFFFFFF  }
tec
execute0_lowered:
.L_overlay_start_1:
0x0: {  	(tag) =	ssettag $0x1  }
0x1: {  	s0 =	rddreg [dreg:$0x0]  }
0x2: {  	s1 =	rddreg [dreg:$0x2]  }
0x3: {  	s5 =	rddreg [dreg:$0x4]  }
0x4: {  	s6 =	rddreg [dreg:$0x5]  }
0x5: {  	s16 =	rddreg [dreg:$0x6]  }
0x6: {  	s25 =	rddreg [dreg:$0x7]  }
0x7: {  	s23 =	rddreg [dreg:$0x8]  }
0x8: {  	s9 =	simm.s32 $0x0;
	s2 =	srdreg.scid;
	s7 =	stileid.u32  }
0x9: {  	s31 =	simm.s32 $0x7530;
	s28 =	simm.s32 $0xF460;
	s29 =	simm.s32 $0x5  }
0xa: {  	s30 =	simm.s32 $0x4;
	s8 =	simm.s32 $0x13D20;
	s10 =	simm.s32 $0x0  }
0xb: {  	[smem:$0x7FF] =	sst s9;
	s2 =	sand.u32 $0x1, s2;
	s3 =	smul.u32 $0x4E20, s7  }
0xc: {  	s4 =	sadd.s32 $0x400, s1;
	s11 =	sadd.s32 $0x800, s1;
	s20 =	smul.u32 $0x280, s7  }
0xd: {  	s7 =	simm.s32 $0x1;
	_ =	strace $0x80000047;
	[dreg:$0xa] =	wrdreg s4  }
0xe: {  	s18 =	ssub.s32 $0x2, s2;
	s22 =	smul.u32 $0x140, s2;
	s2 =	simm.s32 $0x3  }
0xf: {  	s4 =	simm.s32 $0xF1E0;
	s19 =	sshrl.u32 s18, $0x1;
	s3 =	sshrl.u32 s3, $0x3  }
0x10: {  	s13 =	sadd.s32 s20, s5;
	s14 =	sadd.s32 s20, s6;
	s24 =	sadd.s32 s20, s23  }
0x11: {  	s17 =	sadd.s32 s20, s16;
	s6 =	simm.s32 $0x11520;
	[dreg:$0x10] =	wrdreg s24  }
0x12: {  	s1 =	ssub.s32 s18, s19;
	s0 =	sadd.s32 s0, s3;
	[dreg:$0xf] =	wrdreg s22  }
.Ltmp0:
0x13: {  	s3 =	sadd.s32 $0x4E2, s0;
	[dreg:$0xb] =	wrdreg s0;
	(pc) =	sbr.rel .LBB2_1-.Ltmp0, $4  }
0x14: {  	s19 =	sadd.s32 s20, s25;
	s21 =	sadd.s32 $0x9C40, s0;
	[dreg:$0xc] =	wrdreg s3  }
0x15: {  	s22 =	sadd.s32 s22, s20;
	s0 =	sadd.s32 $0xA122, s0;
	[dreg:$0xd] =	wrdreg s21  }
0x16: {  	s24 =	simm.s32 $0x2710;
	s26 =	smax.u32 s1, $0x1;
	[dreg:$0xe] =	wrdreg s0  }
0x17: {  	v0 =	vimm.f32 $0.0e+00;
	v1 =	vimm.f32 $1.000000000e+00;
	s1 =	simm.s32 $0xEA60;
	[dreg:$0x11] =	wrdreg s26;
	s0 =	simm.s32 $0x2  }
.LBB2_25:
0x18: {  	s10 =	sadd.s32 $0x1, s10;
	s5 =	rddreg [dreg:$0x11]  }
0x19: {  	p0 =	sne.s32 s10, s5  }
.Ltmp1:
0x1a: {  	_ = 	snop;
	(pc) =	sbr.rel @!p0 .LBB2_26-.Ltmp1, $2  }
0x1b: {  	_ =	sdelay $0x2  }
0x1c: {  	s13 =	smov.u32 s26;
	s14 =	smov.u32 s20  }
.LBB2_1:
0x1d: {  	s5 =	rddreg [dreg:$0xb]  }
0x1e: {  	[tilespmem:s9], [sflag:$0x1] =	stream.linear.gather [hbm4b:s5+s9], $0x2710, $0x38;
	[tilespmem:$0x15DA0] =	vst v63  }
0x1f: {  	s21 =	rddreg [dreg:$0xc]  }
0x20: {  	[tilespmem:s24], [sflag:$0x2] =	stream.linear.gather [hbm4b:s21+s9], $0x2710, $0x38;
	[tilespmem:$0x15DA0] =	vst v63  }
0x21: {  	s26 =	rddreg [dreg:$0xd];
	s12 =	simm.s32 $0x4E20  }
0x22: {  	[tilespmem:s12], [sflag:$0x3] =	stream.linear.gather [hbm4b:s26+s9], $0x2710, $0x38;
	[tilespmem:$0x15DA0] =	vst v63  }
0x23: {  	s3 =	rddreg [dreg:$0xe]  }
0x24: {  	[tilespmem:s31], [sflag:$0x4] =	stream.linear.gather [hbm4b:s3+s9], $0x2710, $0x38;
	[tilespmem:$0x15DA0] =	vst v63  }
0x25: {  	s12 =	rddreg [dreg:$0x1]  }
0x26: {  	[tilespmem:s28], [sflag:$0x5] =	stream.linear.gather [hbm4b:s12+s9], $0x80, $0x38;
	[tilespmem:$0x15DA0] =	vst v63  }
0x27: {  	_ =	swait.ge [sflag:s29], $0x80  }
0x28: {  	[sflag:s29] =	ssyncset.done $0x0  }
0x29: {  	s20 =	simm.s32 $0xF4E0;
	s18 =	rddreg [dreg:$0xa];
	[sflag:s29] =	ssyncadd.s32 $0xFFFFFF80  }
0x2a: {  	[tilespmem:s20], [sflag:$0x5] =	stream.linear.gather [hbm4b:s18+s9], $0x2000, $0x38;
	[tilespmem:$0x15DA0] =	vst v63  }
0x2b: {  	_ =	swait.ge [sflag:s29], $0x2000  }
0x2c: {  	[sflag:s29] =	ssyncset.done $0x0  }
0x2d: {  	[sflag:s29] =	ssyncadd.s32 $0xFFFFE000  }
0x2e: {  	s26 =	simm.s32 $0x114E0;
	s21 =	rddreg [dreg:$0x3]  }
0x2f: {  	[tilespmem:s26], [sflag:$0x5] =	stream.linear.gather [hbm4b:s21+s9], $0x40, $0x38;
	[tilespmem:$0x15DA0] =	vst v63  }
0x30: {  	_ =	swait.ge [sflag:s29], $0x40  }
0x31: {  	[sflag:s29] =	ssyncset.done $0x0  }
0x32: {  	[sflag:s29] =	ssyncadd.s32 $0xFFFFFFC0  }
0x33: {  	[tilespmem:$0xEA60] =	vst v0  }
0x34: {  	[tilespmem:$0xEA70] =	vst v0  }
0x35: {  	[tilespmem:$0xEA80] =	vst v0  }
0x36: {  	[tilespmem:$0xEA90] =	vst v0  }
0x37: {  	[tilespmem:$0xEAA0] =	vst v0  }
0x38: {  	[tilespmem:$0xEAB0] =	vst v0  }
0x39: {  	[tilespmem:$0xEAC0] =	vst v0  }
0x3a: {  	[tilespmem:$0xEAD0] =	vst v0  }
0x3b: {  	[tilespmem:$0xEAE0] =	vst v0  }
0x3c: {  	[tilespmem:$0xEAF0] =	vst v0  }
0x3d: {  	[tilespmem:$0xEB00] =	vst v0  }
0x3e: {  	[tilespmem:$0xEB10] =	vst v0  }
0x3f: {  	[tilespmem:$0xEB20] =	vst v0  }
0x40: {  	[tilespmem:$0xEB30] =	vst v0  }
0x41: {  	[tilespmem:$0xEB40] =	vst v0  }
0x42: {  	[tilespmem:$0xEB50] =	vst v0  }
0x43: {  	[tilespmem:$0xEB60] =	vst v0  }
0x44: {  	[tilespmem:$0xEB70] =	vst v0  }
0x45: {  	[tilespmem:$0xEB80] =	vst v0  }
0x46: {  	[tilespmem:$0xEB90] =	vst v0  }
0x47: {  	[tilespmem:$0xEBA0] =	vst v0  }
0x48: {  	[tilespmem:$0xEBB0] =	vst v0  }
0x49: {  	[tilespmem:$0xEBC0] =	vst v0  }
0x4a: {  	[tilespmem:$0xEBD0] =	vst v0  }
0x4b: {  	[tilespmem:$0xEBE0] =	vst v0  }
0x4c: {  	[tilespmem:$0xEBF0] =	vst v0  }
0x4d: {  	[tilespmem:$0xEC00] =	vst v0  }
0x4e: {  	[tilespmem:$0xEC10] =	vst v0  }
0x4f: {  	[tilespmem:$0xEC20] =	vst v0  }
0x50: {  	[tilespmem:$0xEC30] =	vst v0  }
0x51: {  	[tilespmem:$0xEC40] =	vst v0  }
0x52: {  	[tilespmem:$0xEC50] =	vst v0  }
0x53: {  	[tilespmem:$0xEC60] =	vst v0  }
0x54: {  	[tilespmem:$0xEC70] =	vst v0  }
0x55: {  	[tilespmem:$0xEC80] =	vst v0  }
0x56: {  	[tilespmem:$0xEC90] =	vst v0  }
0x57: {  	[tilespmem:$0xECA0] =	vst v0  }
0x58: {  	[tilespmem:$0xECB0] =	vst v0  }
0x59: {  	[tilespmem:$0xECC0] =	vst v0  }
0x5a: {  	[tilespmem:$0xECD0] =	vst v0  }
0x5b: {  	[spmem:s13] =	stream.linear.scatter [tilespmem:s1], [sflag:$0x5], $0x280, $0x38;
	[tilespmem:$0x15DA0] =	vst v63  }
0x5c: {  	_ =	swait.ge [sflag:s29], $0x280  }
0x5d: {  	[sflag:s29] =	ssyncset.done $0x0  }
0x5e: {  	[sflag:s29] =	ssyncadd.s32 $0xFFFFFD80  }
0x5f: {  	[spmem:s14] =	stream.linear.scatter [tilespmem:s1], [sflag:$0x5], $0x280, $0x38;
	[tilespmem:$0x15DA0] =	vst v63  }
0x60: {  	_ =	swait.ge [sflag:s29], $0x280  }
0x61: {  	[sflag:s29] =	ssyncset.done $0x0  }
0x62: {  	[sflag:s29] =	ssyncadd.s32 $0xFFFFFD80  }
0x63: {  	[spmem:s17] =	stream.linear.scatter [tilespmem:s1], [sflag:$0x5], $0x280, $0x38;
	[tilespmem:$0x15DA0] =	vst v63  }
0x64: {  	_ =	swait.ge [sflag:s29], $0x280  }
0x65: {  	[sflag:s29] =	ssyncset.done $0x0  }
0x66: {  	[sflag:s29] =	ssyncadd.s32 $0xFFFFFD80  }
0x67: {  	[spmem:s19] =	stream.linear.scatter [tilespmem:s1], [sflag:$0x5], $0x280, $0x38;
	[tilespmem:$0x15DA0] =	vst v63  }
0x68: {  	s15 =	simm.s32 $0x7530;
	_ =	swait.ge [sflag:s29], $0x280  }
0x69: {  	s5 =	simm.s32 $0x0;
	s31 =	smov.u32 s19;
	[sflag:s29] =	ssyncset.done $0x0  }
0x6a: {  	s12 =	simm.s32 $0x140;
	s21 =	smov.u32 s17;
	[sflag:s29] =	ssyncadd.s32 $0xFFFFFD80  }
.LBB2_2:
0x6b: {  	p0 =	sne.s32 s12, $0x9B00;
	[tilespmem:s5+$0xC390] =	vst v1  }
0x6c: {  	[tilespmem:s5+$0x9C40] =	vst v1  }
0x6d: {  	[tilespmem:s5+$0xC350] =	vst v1  }
0x6e: {  	[tilespmem:s5+$0x9C50] =	vst v1  }
0x6f: {  	[tilespmem:s5+$0xC360] =	vst v1  }
.Ltmp2:
0x70: {  	[tilespmem:s5+$0x9C60] =	vst v1;
	(pc) =	sbr.rel @p0 .LBB2_2-.Ltmp2, $4  }
0x71: {  	[tilespmem:s5+$0xC370] =	vst v1  }
0x72: {  	[tilespmem:s5+$0x9C70] =	vst v1  }
0x73: {  	[tilespmem:s5+$0xC380] =	vst v1  }
0x74: {  	[tilespmem:s5+$0x9C80] =	vst v1;
	s5 =	sshra.s32 s12, $0x2;
	s12 =	sadd.s32 $0x140, s12  }
0x75: {  	[tilespmem:s5+$0xC390] =	vst v1  }
0x76: {  	[tilespmem:s5+$0x9C40] =	vst v1  }
0x77: {  	[tilespmem:s5+$0xC350] =	vst v1  }
0x78: {  	[tilespmem:s5+$0x9C50] =	vst v1  }
0x79: {  	[tilespmem:s5+$0xC360] =	vst v1  }
0x7a: {  	[tilespmem:s5+$0x9C60] =	vst v1  }
0x7b: {  	[tilespmem:s5+$0xC370] =	vst v1  }
0x7c: {  	[tilespmem:s5+$0x9C70] =	vst v1  }
0x7d: {  	[tilespmem:s5+$0xC380] =	vst v1  }
0x7e: {  	[tilespmem:s5+$0x9C80] =	vst v1  }
0x7f: {  	_ =	swait.ge [sflag:s7], $0x2710  }
0x80: {  	[sflag:s7] =	ssyncset.done $0x0  }
0x81: {  	[sflag:s7] =	ssyncadd.s32 $0xFFFFD8F0  }
0x82: {  	_ =	swait.ge [sflag:s0], $0x2710  }
0x83: {  	[sflag:s0] =	ssyncset.done $0x0  }
0x84: {  	[sflag:s0] =	ssyncadd.s32 $0xFFFFD8F0  }
0x85: {  	_ =	swait.ge [sflag:s2], $0x2710  }
0x86: {  	[sflag:s2] =	ssyncset.done $0x0  }
0x87: {  	[sflag:s2] =	ssyncadd.s32 $0xFFFFD8F0  }
0x88: {  	_ =	swait.ge [sflag:s30], $0x2710  }
0x89: {  	[sflag:s30] =	ssyncset.done $0x0  }
0x8a: {  	[sflag:s30] =	ssyncadd.s32 $0xFFFFD8F0  }
0x8b: {  	s19 =	smov.u32 s23;
	[bflag:$0x0] =	sbarrier.arrive $0xFFFF  }
0x8c: {  	s23 =	simm.s32 $0x0;
	s26 =	simm.s32 $0x9C40;
	s12 =	rddreg [dreg:$0x4]  }
0x8d: {  	[spmem:s12] =	stream.indirect.scatter.add.f32 [tilespmem:s26], [sflag:$0x1], $0x1, s23, s24, $0xb8;
	[tilespmem:$0x15DA0] =	vst v63  }
0x8e: {  	s18 =	simm.s32 $0xC350  }
0x8f: {  	v2 =	vmov s23;
	[spmem:s12] =	stream.indirect.scatter.add.f32 [tilespmem:s18], [sflag:$0x2], $0x1, s24, s24, $0xb8;
	[tilespmem:$0x15DA0] =	vst v63  }
0x90: {  	s20 =	rddreg [dreg:$0x5];
	s23 =	simm.s32 $0x4E20  }
0x91: {  	[spmem:s20] =	stream.indirect.scatter.add.f32 [tilespmem:s26], [sflag:$0x3], $0x1, s23, s24, $0xb8;
	[tilespmem:$0x15DA0] =	vst v63  }
0x92: {  	s26 =	simm.s32 $0x1  }
0x93: {  	[spmem:s20] =	stream.indirect.scatter.add.f32 [tilespmem:s18], [sflag:$0x4], $0x1, s15, s24, $0xb8;
	[tilespmem:$0x15DA0] =	vst v63  }
0x94: {  	s5 =	simm.s32 $0xF500;
	v3 =	vmov s26;
	v2 =	vld.idx.msk [tilespmem:v2+s28+$0x0], $0xffff  }
0x95: {  	v16 =	vld [tilespmem:s5+$0x10]  }
0x96: {  	v10 =	vld [tilespmem:s5+$0xFFFFFFE0]  }
0x97: {  	v15 =	vld [tilespmem:s5+$0xFFFFFFF0]  }
0x98: {  	v9 =	vimm.f32 $0.0e+00;
	v12 =	vimm.f32 $0.0e+00;
	v13 =	vld [tilespmem:s5+$0x0]  }
0x99: {  	s17 =	smov.u32 s16;
	s3 =	simm.s32 $0x9C40;
	v7 =	vimm.f32 $0.0e+00;
	v6 =	vimm.f32 $0.0e+00;
	s12 =	simm.s32 $0x2;
	v8 =	vld.idx.msk [tilespmem:v3+s28+$0x0], $0xffff;
	v14 =	vmax.f32 v2, $0.0e+00  }
.LBB2_4:
0x9a: {  	v2 =	vmov s12;
	p0 =	sne.s32 s12, $0x7F;
	s12 =	sadd.s32 $0x1, s12;
	v3 =	vmul.f32 v16, v14;
	s5 =	sadd.s32 $0x40, s5  }
.Ltmp3:
0x9b: {  	v16 =	vld [tilespmem:s5+$0x10];
	v4 =	vmul.f32 v10, v14;
	(pc) =	sbr.rel @p0 .LBB2_4-.Ltmp3, $4  }
0x9c: {  	v10 =	vld [tilespmem:s5+$0xFFFFFFE0];
	v5 =	vmul.f32 v15, v14;
	v9 =	vadd.f32 v3, v9  }
0x9d: {  	v15 =	vld [tilespmem:s5+$0xFFFFFFF0];
	v12 =	vadd.f32 v4, v12;
	v3 =	vmul.f32 v13, v14  }
0x9e: {  	v13 =	vld [tilespmem:s5+$0x0];
	v7 =	vadd.f32 v5, v7  }
0x9f: {  	v14 =	vmax.f32 v8, $0.0e+00;
	v8 =	vld.idx.msk [tilespmem:v2+s28+$0x0], $0xffff;
	v6 =	vadd.f32 v3, v6  }
0xa0: {  	v2 =	vld [tilespmem:$0x114E0]  }
0xa1: {  	v3 =	vld [tilespmem:$0x114F0]  }
0xa2: {  	v4 =	vld [tilespmem:$0x11500]  }
0xa3: {  	s5 =	sadd.s32 $0x40, s5;
	v5 =	vld [tilespmem:$0x11510]  }
0xa4: {  	v17 =	vld [tilespmem:s5+$0x10]  }
0xa5: {  	v18 =	vld [tilespmem:s5+$0xFFFFFFE0]  }
0xa6: {  	v19 =	vld [tilespmem:s5+$0xFFFFFFF0]  }
0xa7: {  	v20 =	vld [tilespmem:s5+$0x0];
	_ =	swait.ge [sflag:s7], $0x2710  }
0xa8: {  	[sflag:s7] =	ssyncset.done $0x0  }
0xa9: {  	[sflag:s7] =	ssyncadd.s32 $0xFFFFD8F0  }
0xaa: {  	_ =	swait.ge [sflag:s0], $0x2710  }
0xab: {  	[sflag:s0] =	ssyncset.done $0x0  }
0xac: {  	[sflag:s0] =	ssyncadd.s32 $0xFFFFD8F0  }
0xad: {  	_ =	swait.ge [sflag:s2], $0x2710  }
0xae: {  	[sflag:s2] =	ssyncset.done $0x0  }
0xaf: {  	[sflag:s2] =	ssyncadd.s32 $0xFFFFD8F0  }
0xb0: {  	_ =	swait.ge [sflag:s30], $0x2710  }
0xb1: {  	[sflag:s30] =	ssyncset.done $0x0  }
0xb2: {  	[sflag:s30] =	ssyncadd.s32 $0xFFFFD8F0  }
0xb3: {  	[bflag:$0x0] =	sbarrier.arrive $0xFFFF  }
0xb4: {  	[tilespmem:s1], [sflag:$0x5] =	stream.linear.gather [spmem:s13], $0x280, $0x38;
	[tilespmem:$0x15DA0] =	vst v63  }
0xb5: {  	_ =	swait.ge [sflag:s29], $0x280  }
0xb6: {  	[sflag:s29] =	ssyncset.done $0x0  }
0xb7: {  	[sflag:s29] =	ssyncadd.s32 $0xFFFFFD80  }
0xb8: {  	[tilespmem:s4], [sflag:$0x5] =	stream.linear.gather [spmem:s14], $0x280, $0x38;
	[tilespmem:$0x15DA0] =	vst v63  }
0xb9: {  	_ =	swait.ge [sflag:s29], $0x280  }
0xba: {  	[sflag:s29] =	ssyncset.done $0x0  }
0xbb: {  	s23 =	simm.s32 $0x0;
	[sflag:s29] =	ssyncadd.s32 $0xFFFFFD80  }
0xbc: {  	v11 =	vld [tilespmem:s23+$0xF1E0];
	_ =	sdelay $0x4  }
0xbd: {  	v11 =	vadd.f32 $1.000000000e+00, v11  }
0xbe: {  	s20 =	smov.u32 s14;
	s14 =	simm.s32 $0x10  }
0xbf: {  	v21 =	vld [tilespmem:s14+$0xF1E0];
	v22 =	vmul.f32 $5.000000000e-01, v11;
	v11 =	vshra.s32 v11, $0x1  }
0xc0: {  	v23 =	vsub.s32 $0x5F3759DF, v11  }
0xc1: {  	v11 =	vmul.f32 v23, v22;
	_ =	sdelay $0x1  }
0xc2: {  	s26 =	smov.u32 s13;
	s13 =	simm.s32 $0x20;
	v11 =	vmul.f32 v23, v11  }
0xc3: {  	v25 =	vld [tilespmem:s13+$0xF1E0];
	v21 =	vadd.f32 $1.000000000e+00, v21  }
0xc4: {  	v24 =	vsub.f32 $1.500000000e+00, v11  }
0xc5: {  	v11 =	vmul.f32 $5.000000000e-01, v21;
	v21 =	vshra.s32 v21, $0x1  }
0xc6: {  	v21 =	vsub.s32 $0x5F3759DF, v21;
	v23 =	vmul.f32 v23, v24  }
0xc7: {  	v16 =	vmul.f32 v16, v14;
	v53 =	vmul.f32 v21, v11  }
0xc8: {  	v27 =	vmul.f32 v10, v14;
	v25 =	vadd.f32 $1.000000000e+00, v25;
	v26 =	vmul.f32 v23, v22  }
0xc9: {  	v15 =	vmul.f32 v15, v14;
	v9 =	vadd.f32 v16, v9;
	v24 =	vmul.f32 v21, v53  }
0xca: {  	v10 =	vmul.f32 $5.000000000e-01, v25;
	v25 =	vshra.s32 v25, $0x1;
	v26 =	vmul.f32 v26, v23  }
0xcb: {  	s15 =	simm.s32 $0x30;
	v13 =	vmul.f32 v13, v14;
	v54 =	vsub.s32 $0x5F3759DF, v25;
	v24 =	vsub.f32 $1.500000000e+00, v24  }
0xcc: {  	v8 =	vmax.f32 v8, $0.0e+00;
	v28 =	vld [tilespmem:s15+$0xF1E0];
	v25 =	vmul.f32 v54, v10;
	v26 =	vsub.f32 $1.500000000e+00, v26  }
0xcd: {  	v16 =	vadd.f32 v27, v12;
	v17 =	vmul.f32 v17, v8;
	v21 =	vmul.f32 v21, v24  }
0xce: {  	v15 =	vadd.f32 v15, v7;
	v14 =	vmul.f32 v54, v25;
	v23 =	vmul.f32 v26, v23  }
0xcf: {  	v62 =	vadd.f32 v13, v6;
	v18 =	vmul.f32 v18, v8;
	v55 =	vmul.f32 v21, v11  }
0xd0: {  	v61 =	vmul.f32 v19, v8;
	v14 =	vsub.f32 $1.500000000e+00, v14;
	v12 =	vmul.f32 v23, v22  }
0xd1: {  	v20 =	vmul.f32 v20, v8;
	v57 =	vadd.f32 $1.000000000e+00, v28;
	v56 =	vmul.f32 v55, v21  }
0xd2: {  	s5 =	simm.s32 $0x40;
	v6 =	vadd.f32 v17, v9;
	v14 =	vmul.f32 v54, v14;
	v58 =	vmul.f32 v12, v23  }
0xd3: {  	v59 =	vld [tilespmem:s5+$0xF1E0];
	v60 =	vshra.s32 v57, $0x1;
	v25 =	vsub.f32 $1.500000000e+00, v56;
	v12 =	vmul.f32 $5.000000000e-01, v57  }
0xd4: {  	v19 =	vsub.s32 $0x5F3759DF, v60;
	v9 =	vmul.f32 v14, v10;
	v7 =	vsub.f32 $1.500000000e+00, v58  }
0xd5: {  	v21 =	vmul.f32 v25, v21;
	v13 =	vmul.f32 v19, v12  }
0xd6: {  	v9 =	vmul.f32 v9, v14;
	v27 =	vmul.f32 v7, v23  }
0xd7: {  	v17 =	vmul.f32 v21, v11;
	v13 =	vmul.f32 v19, v13  }
0xd8: {  	v7 =	vadd.f32 v18, v16;
	v18 =	vadd.f32 $1.000000000e+00, v59;
	v16 =	vmul.f32 v27, v22  }
0xd9: {  	v9 =	vsub.f32 $1.500000000e+00, v9;
	v17 =	vmul.f32 v17, v21;
	v8 =	vsub.f32 $1.500000000e+00, v13  }
0xda: {  	v13 =	vmul.f32 $5.000000000e-01, v18;
	v18 =	vshra.s32 v18, $0x1;
	v16 =	vmul.f32 v16, v27  }
0xdb: {  	s18 =	simm.s32 $0x50;
	v22 =	vsub.f32 $1.500000000e+00, v17;
	v17 =	vmul.f32 v19, v8;
	v19 =	vsub.s32 $0x5F3759DF, v18  }
0xdc: {  	v63 =	vsub.f32 $1.500000000e+00, v16;
	v16 =	vmul.f32 v9, v14;
	v9 =	vadd.f32 v20, v62;
	v20 =	vld [tilespmem:s18+$0xF1E0]  }
0xdd: {  	v8 =	vadd.f32 v61, v15;
	v15 =	vld [tilespmem:s23+$0xEA60];
	v23 =	vmul.f32 v19, v13  }
0xde: {  	v14 =	vmul.f32 v22, v21;
	v18 =	vmul.f32 v63, v27  }
0xdf: {  	s12 =	simm.s32 $0x180;
	v22 =	vmul.f32 v17, v12;
	v21 =	vmul.f32 v16, v10  }
.LBB2_6:
0xe0: {  	p0 =	sne.s32 s12, $0x9C0;
	v23 =	vmul.f32 v19, v23;
	v24 =	vmul.f32 v14, v11;
	[tilespmem:s23+$0xECE0] =	vst v18;
	v11 =	vmovc v10;
	v10 =	vmov v12;
	s16 =	smov.u32 s12;
	s12 =	sadd.s32 $0x40, s12  }
0xe1: {  	v12 =	vmovc v13;
	v25 =	vadd.f32 $1.000000000e+00, v20;
	v20 =	vmul.f32 v22, v17;
	v21 =	vmul.f32 v21, v16  }
0xe2: {  	v18 =	vmul.f32 v18, v15;
	v22 =	vsub.f32 $1.500000000e+00, v23;
	v23 =	vmul.f32 v24, v14  }
.Ltmp4:
0xe3: {  	s16 =	sshra.s32 s16, $0x2;
	v13 =	vmul.f32 $5.000000000e-01, v25;
	v24 =	vsub.f32 $1.500000000e+00, v20;
	v21 =	vsub.f32 $1.500000000e+00, v21;
	v15 =	vld [tilespmem:s14+$0xEA60];
	(pc) =	sbr.rel @p0 .LBB2_6-.Ltmp4, $4  }
0xe4: {  	v25 =	vshra.s32 v25, $0x1;
	v20 =	vld [tilespmem:s16+$0xF1E0];
	v22 =	vmul.f32 v19, v22;
	v26 =	vsub.f32 $1.500000000e+00, v23;
	[tilespmem:s23+$0xEF60] =	vst v18;
	s23 =	smov.u32 s14;
	s14 =	smov.u32 s13;
	s13 =	smov.u32 s15  }
0xe5: {  	v19 =	vsub.s32 $0x5F3759DF, v25;
	s15 =	smov.u32 s5;
	s5 =	smov.u32 s18;
	s18 =	smov.u32 s16;
	v25 =	vmul.f32 v21, v16;
	v16 =	vmul.f32 v24, v17  }
0xe6: {  	v23 =	vmul.f32 v19, v13;
	v18 =	vmul.f32 v26, v14;
	v17 =	vmov v22  }
0xe7: {  	v22 =	vmul.f32 v17, v12;
	v21 =	vmul.f32 v16, v10;
	v14 =	vmov v25  }
0xe8: {  	_ = 	snop  }
0xe9: {  	v23 =	vmul.f32 v19, v23;
	v20 =	vadd.f32 $1.000000000e+00, v20;
	_ =	sdelay $0x1  }
0xea: {  	v23 =	vsub.f32 $1.500000000e+00, v23;
	v24 =	vmul.f32 $5.000000000e-01, v20;
	v20 =	vshra.s32 v20, $0x1  }
0xeb: {  	v20 =	vsub.s32 $0x5F3759DF, v20  }
0xec: {  	v43 =	vmul.f32 v19, v23;
	v44 =	vmul.f32 v20, v24  }
0xed: {  	v22 =	vmul.f32 v22, v17  }
0xee: {  	v25 =	vmul.f32 v43, v13;
	v23 =	vmul.f32 v20, v44  }
0xef: {  	v21 =	vmul.f32 v21, v16;
	v22 =	vsub.f32 $1.500000000e+00, v22  }
0xf0: {  	v11 =	vmul.f32 v14, v11;
	v25 =	vmul.f32 v25, v43;
	v23 =	vsub.f32 $1.500000000e+00, v23  }
0xf1: {  	v21 =	vsub.f32 $1.500000000e+00, v21;
	v45 =	vmul.f32 v22, v17  }
0xf2: {  	v11 =	vmul.f32 v11, v14;
	v46 =	vsub.f32 $1.500000000e+00, v25;
	v20 =	vmul.f32 v20, v23  }
0xf3: {  	v47 =	vmul.f32 v21, v16;
	v48 =	vmul.f32 v45, v12  }
0xf4: {  	[tilespmem:s23+$0xECE0] =	vst v18;
	v19 =	vmul.f32 v46, v43;
	v49 =	vmul.f32 v20, v24  }
0xf5: {  	v50 =	vld [tilespmem:s14+$0xEA60];
	v10 =	vmul.f32 v47, v10;
	v21 =	vmul.f32 v48, v45  }
0xf6: {  	v11 =	vsub.f32 $1.500000000e+00, v11;
	v51 =	vmul.f32 v19, v13;
	v22 =	vmul.f32 v49, v20  }
0xf7: {  	v15 =	vmul.f32 v18, v15;
	v10 =	vmul.f32 v10, v47;
	v52 =	vsub.f32 $1.500000000e+00, v21  }
0xf8: {  	v11 =	vmul.f32 v11, v14;
	v53 =	vmul.f32 v51, v19;
	v54 =	vsub.f32 $1.500000000e+00, v22  }
0xf9: {  	[tilespmem:s23+$0xEF60] =	vst v15;
	v10 =	vsub.f32 $1.500000000e+00, v10;
	v55 =	vmul.f32 v52, v45  }
0xfa: {  	[tilespmem:s14+$0xECE0] =	vst v11;
	v11 =	vmul.f32 v11, v50;
	v14 =	vsub.f32 $1.500000000e+00, v53;
	v56 =	vmul.f32 v54, v20  }
0xfb: {  	v57 =	vld [tilespmem:s13+$0xEA60];
	v10 =	vmul.f32 v10, v47;
	v58 =	vmul.f32 v55, v12  }
0xfc: {  	[tilespmem:s14+$0xEF60] =	vst v11;
	v11 =	vmul.f32 v14, v19;
	v59 =	vmul.f32 v56, v24  }
0xfd: {  	[tilespmem:s13+$0xECE0] =	vst v10;
	v12 =	vmul.f32 v58, v55  }
0xfe: {  	v60 =	vld [tilespmem:s15+$0xEA60];
	v61 =	vmul.f32 v11, v13;
	v14 =	vmul.f32 v59, v56  }
0xff: {  	v12 =	vsub.f32 $1.500000000e+00, v12  }
0x100: {  	v10 =	vmul.f32 v10, v57;
	v13 =	vmul.f32 v61, v11;
	v14 =	vsub.f32 $1.500000000e+00, v14  }
0x101: {  	v12 =	vmul.f32 v12, v55  }
0x102: {  	[tilespmem:s13+$0xEF60] =	vst v10;
	v10 =	vsub.f32 $1.500000000e+00, v13;
	v62 =	vmul.f32 v14, v56  }
0x103: {  	[tilespmem:s15+$0xECE0] =	vst v12;
	v12 =	vmul.f32 v12, v60  }
0x104: {  	v10 =	vmul.f32 v10, v11;
	v11 =	vmul.f32 v62, v24  }
0x105: {  	v63 =	vld [tilespmem:s5+$0xEA60];
	[tilespmem:s15+$0xEF60] =	vst v12  }
0x106: {  	[tilespmem:s5+$0xECE0] =	vst v10;
	v11 =	vmul.f32 v11, v62  }
0x107: {  	v12 =	vld [tilespmem:s18+$0xEA60]  }
0x108: {  	v11 =	vsub.f32 $1.500000000e+00, v11;
	_ =	sdelay $0x1  }
0x109: {  	v10 =	vmul.f32 v10, v63;
	v11 =	vmul.f32 v11, v62;
	_ =	sdelay $0x1  }
0x10a: {  	[tilespmem:s5+$0xEF60] =	vst v10;
	v10 =	vmul.f32 v11, v12  }
0x10b: {  	[tilespmem:s18+$0xECE0] =	vst v11  }
0x10c: {  	s12 =	simm.s32 $0xEF60;
	s23 =	rddreg [dreg:$0x10];
	[tilespmem:s18+$0xEF60] =	vst v10  }
0x10d: {  	[spmem:s23] =	stream.linear.scatter [tilespmem:s12], [sflag:$0x5], $0x280, $0x38;
	[tilespmem:$0x15DA0] =	vst v63  }
0x10e: {  	_ =	swait.ge [sflag:s29], $0x280  }
0x10f: {  	[sflag:s29] =	ssyncset.done $0x0  }
0x110: {  	[sflag:s29] =	ssyncadd.s32 $0xFFFFFD80  }
0x111: {  	[bflag:$0x0] =	sbarrier.arrive $0xFFFF  }
0x112: {  	[tilespmem:s6], [sflag:$0x5] =	stream.linear.gather [spmem:s19], $0x2800, $0x38;
	[tilespmem:$0x15DA0] =	vst v63  }
0x113: {  	_ =	swait.ge [sflag:s29], $0x2800  }
0x114: {  	[sflag:s29] =	ssyncset.done $0x0  }
0x115: {  	s5 =	simm.s32 $0x0;
	[sflag:s29] =	ssyncadd.s32 $0xFFFFD800  }
0x116: {  	v10 =	vld [tilespmem:s5+$0x0];
	_ =	sdelay $0x7  }
0x117: {  	s13 =	simm.s32 $0x80;
	s23 =	smov.u32 s19;
	s12 =	simm.s32 $0x10;
	v10 =	vld.idx.msk [tilespmem:v10+s6+$0x0], $0xffff  }
.LBB2_8:
0x118: {  	p0 =	sne.s32 s13, $0x9C00;
	v11 =	vld [tilespmem:s12+$0x0];
	_ =	sdelay $0x3  }
.Ltmp5:
0x119: {  	(pc) =	sbr.rel @p0 .LBB2_8-.Ltmp5, $2  }
0x11a: {  	[tilespmem:s5+$0x9C40] =	vst v10;
	s5 =	smov.u32 s12;
	_ =	sdelay $0x2  }
0x11b: {  	s12 =	sshra.s32 s13, $0x2;
	s13 =	sadd.s32 $0x40, s13;
	v10 =	vld.idx.msk [tilespmem:v11+s6+$0x0], $0xffff  }
0x11c: {  	v11 =	vld [tilespmem:s12+$0x0];
	_ =	sdelay $0x6  }
0x11d: {  	[tilespmem:s5+$0x9C40] =	vst v10  }
0x11e: {  	v10 =	vld.idx.msk [tilespmem:v11+s6+$0x0], $0xffff;
	_ =	sdelay $0x4  }
0x11f: {  	s19 =	simm.s32 $0x4E20;
	s5 =	simm.s32 $0x0;
	[tilespmem:s12+$0x9C40] =	vst v10  }
0x120: {  	[spmem:s17] =	stream.indirect.scatter.add.f32 [tilespmem:s3], [sflag:$0x3], $0x1, s19, s24, $0xb8;
	[tilespmem:$0x15DA0] =	vst v63  }
0x121: {  	v10 =	vld [tilespmem:s5+$0x2710];
	_ =	sdelay $0x6  }
0x122: {  	s16 =	smov.u32 s17  }
0x123: {  	s13 =	simm.s32 $0x80;
	s12 =	simm.s32 $0x10;
	s19 =	smov.u32 s31;
	v10 =	vld.idx.msk [tilespmem:v10+s6+$0x0], $0xffff  }
.LBB2_10:
0x124: {  	p0 =	sne.s32 s13, $0x9C00;
	v11 =	vld [tilespmem:s12+$0x2710];
	_ =	sdelay $0x3  }
.Ltmp6:
0x125: {  	(pc) =	sbr.rel @p0 .LBB2_10-.Ltmp6, $2  }
0x126: {  	[tilespmem:s5+$0xC350] =	vst v10;
	s5 =	smov.u32 s12;
	_ =	sdelay $0x2  }
0x127: {  	s12 =	sshra.s32 s13, $0x2;
	s13 =	sadd.s32 $0x40, s13;
	v10 =	vld.idx.msk [tilespmem:v11+s6+$0x0], $0xffff  }
0x128: {  	v11 =	vld [tilespmem:s12+$0x2710];
	_ =	sdelay $0x6  }
0x129: {  	[tilespmem:s5+$0xC350] =	vst v10  }
0x12a: {  	v10 =	vld.idx.msk [tilespmem:v11+s6+$0x0], $0xffff;
	_ =	sdelay $0x4  }
0x12b: {  	[tilespmem:s12+$0xC350] =	vst v10  }
0x12c: {  	_ =	swait.ge [sflag:s2], $0x2710  }
0x12d: {  	[sflag:s2] =	ssyncset.done $0x0  }
0x12e: {  	s31 =	simm.s32 $0x7530;
	s18 =	simm.s32 $0xC350;
	[sflag:s2] =	ssyncadd.s32 $0xFFFFD8F0  }
0x12f: {  	[spmem:s16] =	stream.indirect.scatter.add.f32 [tilespmem:s18], [sflag:$0x5], $0x1, s31, s24, $0xb8;
	[tilespmem:$0x15DA0] =	vst v63  }
0x130: {  	_ =	swait.ge [sflag:s29], $0x2710  }
0x131: {  	[sflag:s29] =	ssyncset.done $0x0  }
0x132: {  	[sflag:s29] =	ssyncadd.s32 $0xFFFFD8F0  }
0x133: {  	[bflag:$0x0] =	sbarrier.arrive $0xFFFF  }
0x134: {  	[tilespmem:s1], [sflag:$0x5] =	stream.linear.gather [spmem:s21], $0x280, $0x38;
	[tilespmem:$0x15DA0] =	vst v63  }
0x135: {  	_ =	swait.ge [sflag:s29], $0x280  }
0x136: {  	[sflag:s29] =	ssyncset.done $0x0  }
0x137: {  	s5 =	simm.s32 $0x0;
	[sflag:s29] =	ssyncadd.s32 $0xFFFFFD80  }
0x138: {  	s17 =	smov.u32 s21;
	s12 =	simm.s32 $0x40;
	v10 =	vld [tilespmem:s5+$0xEA60]  }
.LBB2_12:
0x139: {  	p0 =	sne.s32 s12, $0x9C0;
	v11 =	vld [tilespmem:s5+$0xEF60];
	_ =	sdelay $0x1  }
0x13a: {  	v12 =	vld [tilespmem:s5+$0xECE0];
	_ =	sdelay $0x2  }
0x13b: {  	v10 =	vadd.f32 v11, v10;
	_ =	sdelay $0x1  }
.Ltmp7:
0x13c: {  	v10 =	vmul.f32 v10, v12;
	(pc) =	sbr.rel @p0 .LBB2_12-.Ltmp7, $4  }
0x13d: {  	_ = 	snop  }
0x13e: {  	v11 =	vmul.f32 v10, v12  }
0x13f: {  	s13 =	sshra.s32 s12, $0x2  }
0x140: {  	s12 =	sadd.s32 $0x40, s12;
	v10 =	vld [tilespmem:s13+$0xEA60];
	[tilespmem:s5+$0xEF60] =	vst v11;
	s5 =	smov.u32 s13  }
0x141: {  	v11 =	vld [tilespmem:s5+$0xEF60];
	_ =	sdelay $0x1  }
0x142: {  	v12 =	vld [tilespmem:s5+$0xECE0];
	_ =	sdelay $0x2  }
0x143: {  	v10 =	vadd.f32 v11, v10;
	_ =	sdelay $0x1  }
0x144: {  	v10 =	vmul.f32 v10, v12;
	_ =	sdelay $0x1  }
0x145: {  	v10 =	vmul.f32 v10, v12;
	_ =	sdelay $0x1  }
0x146: {  	s21 =	rddreg [dreg:$0x10];
	s12 =	simm.s32 $0xEF60;
	[tilespmem:s5+$0xEF60] =	vst v10  }
0x147: {  	[spmem:s21] =	stream.linear.scatter [tilespmem:s12], [sflag:$0x5], $0x280, $0x38;
	[tilespmem:$0x15DA0] =	vst v63  }
0x148: {  	_ =	swait.ge [sflag:s29], $0x280  }
0x149: {  	[sflag:s29] =	ssyncset.done $0x0  }
0x14a: {  	[sflag:s29] =	ssyncadd.s32 $0xFFFFFD80  }
0x14b: {  	[bflag:$0x0] =	sbarrier.arrive $0xFFFF  }
0x14c: {  	[tilespmem:s6], [sflag:$0x5] =	stream.linear.gather [spmem:s23], $0x2800, $0x38;
	[tilespmem:$0x15DA0] =	vst v63  }
0x14d: {  	_ =	swait.ge [sflag:s29], $0x2800  }
0x14e: {  	[sflag:s29] =	ssyncset.done $0x0  }
0x14f: {  	s5 =	simm.s32 $0x0;
	[sflag:s29] =	ssyncadd.s32 $0xFFFFD800  }
0x150: {  	v10 =	vld [tilespmem:s5+$0x0];
	_ =	sdelay $0x7  }
0x151: {  	s13 =	simm.s32 $0x80;
	s12 =	simm.s32 $0x10;
	v10 =	vld.idx.msk [tilespmem:v10+s6+$0x0], $0xffff  }
.LBB2_14:
0x152: {  	p0 =	sne.s32 s13, $0x9C00;
	v11 =	vld [tilespmem:s12+$0x0];
	_ =	sdelay $0x3  }
.Ltmp8:
0x153: {  	(pc) =	sbr.rel @p0 .LBB2_14-.Ltmp8, $2  }
0x154: {  	[tilespmem:s5+$0x9C40] =	vst v10;
	s5 =	smov.u32 s12;
	_ =	sdelay $0x2  }
0x155: {  	s12 =	sshra.s32 s13, $0x2;
	s13 =	sadd.s32 $0x40, s13;
	v10 =	vld.idx.msk [tilespmem:v11+s6+$0x0], $0xffff  }
0x156: {  	v11 =	vld [tilespmem:s12+$0x0];
	_ =	sdelay $0x6  }
0x157: {  	[tilespmem:s5+$0x9C40] =	vst v10  }
0x158: {  	v10 =	vld.idx.msk [tilespmem:v11+s6+$0x0], $0xffff;
	_ =	sdelay $0x4  }
0x159: {  	s21 =	simm.s32 $0x4E20;
	s5 =	simm.s32 $0x0;
	[tilespmem:s12+$0x9C40] =	vst v10  }
0x15a: {  	[spmem:s25] =	stream.indirect.scatter.add.f32 [tilespmem:s3], [sflag:$0x3], $0x1, s21, s24, $0xb8;
	[tilespmem:$0x15DA0] =	vst v63  }
0x15b: {  	v10 =	vld [tilespmem:s5+$0x2710];
	_ =	sdelay $0x7  }
0x15c: {  	s13 =	simm.s32 $0x80;
	s12 =	simm.s32 $0x10;
	v10 =	vld.idx.msk [tilespmem:v10+s6+$0x0], $0xffff  }
.LBB2_16:
0x15d: {  	p0 =	sne.s32 s13, $0x9C00;
	v11 =	vld [tilespmem:s12+$0x2710];
	_ =	sdelay $0x3  }
.Ltmp9:
0x15e: {  	(pc) =	sbr.rel @p0 .LBB2_16-.Ltmp9, $2  }
0x15f: {  	[tilespmem:s5+$0xC350] =	vst v10;
	s5 =	smov.u32 s12;
	_ =	sdelay $0x2  }
0x160: {  	s12 =	sshra.s32 s13, $0x2;
	s13 =	sadd.s32 $0x40, s13;
	v10 =	vld.idx.msk [tilespmem:v11+s6+$0x0], $0xffff  }
0x161: {  	v11 =	vld [tilespmem:s12+$0x2710];
	_ =	sdelay $0x6  }
0x162: {  	[tilespmem:s5+$0xC350] =	vst v10  }
0x163: {  	v10 =	vld.idx.msk [tilespmem:v11+s6+$0x0], $0xffff;
	_ =	sdelay $0x4  }
0x164: {  	[tilespmem:s12+$0xC350] =	vst v10  }
0x165: {  	_ =	swait.ge [sflag:s2], $0x2710  }
0x166: {  	[sflag:s2] =	ssyncset.done $0x0  }
0x167: {  	s3 =	simm.s32 $0xC350;
	[sflag:s2] =	ssyncadd.s32 $0xFFFFD8F0  }
0x168: {  	[spmem:s25] =	stream.indirect.scatter.add.f32 [tilespmem:s3], [sflag:$0x5], $0x1, s31, s24, $0xb8;
	[tilespmem:$0x15DA0] =	vst v63  }
0x169: {  	_ =	swait.ge [sflag:s29], $0x2710  }
0x16a: {  	[sflag:s29] =	ssyncset.done $0x0  }
0x16b: {  	[sflag:s29] =	ssyncadd.s32 $0xFFFFD8F0  }
0x16c: {  	[bflag:$0x0] =	sbarrier.arrive $0xFFFF  }
0x16d: {  	[tilespmem:s1], [sflag:$0x5] =	stream.linear.gather [spmem:s19], $0x280, $0x38;
	[tilespmem:$0x15DA0] =	vst v63  }
0x16e: {  	_ =	swait.ge [sflag:s29], $0x280  }
0x16f: {  	[sflag:s29] =	ssyncset.done $0x0  }
0x170: {  	s12 =	simm.s32 $0x0;
	[sflag:s29] =	ssyncadd.s32 $0xFFFFFD80  }
0x171: {  	v10 =	vld [tilespmem:s12+$0xEA60]  }
0x172: {  	v11 =	vld [tilespmem:s12+$0xEF60];
	_ =	sdelay $0x1  }
0x173: {  	v12 =	vld [tilespmem:s12+$0xECE0]  }
0x174: {  	s13 =	simm.s32 $0x40;
	s5 =	simm.s32 $0x0  }
.LBB2_18:
0x175: {  	s14 =	sshra.s32 s13, $0x2;
	p0 =	sne.s32 s13, $0x9C0  }
.Ltmp10:
0x176: {  	s13 =	sadd.s32 $0x40, s13;
	v13 =	vadd.f32 v11, v10;
	v10 =	vld [tilespmem:s14+$0xEA60];
	(pc) =	sbr.rel @p0 .LBB2_18-.Ltmp10, $4  }
0x177: {  	v11 =	vld [tilespmem:s14+$0xEF60]  }
0x178: {  	v13 =	vmul.f32 v13, v12  }
0x179: {  	v12 =	vld [tilespmem:s14+$0xECE0]  }
0x17a: {  	[tilespmem:s12+$0xF1E0] =	vst v13;
	s12 =	smov.u32 s14  }
0x17b: {  	_ = 	snop  }
.Ltmp11:
0x17c: {  	v10 =	vadd.f32 v11, v10;
	(pc) =	sbr.rel .LBB2_20-.Ltmp11, $3  }
0x17d: {  	_ = 	snop  }
0x17e: {  	v10 =	vmul.f32 v10, v12;
	_ =	sdelay $0x1  }
0x17f: {  	s13 =	rddreg [dreg:$0xf];
	[tilespmem:s12+$0xF1E0] =	vst v10  }
.LBB2_24:
0x180: {  	s5 =	sadd.s32 $0x1, s5  }
0x181: {  	p0 =	sne.s32 s5, $0x4  }
.Ltmp12:
0x182: {  	_ = 	snop;
	(pc) =	sbr.rel @!p0 .LBB2_25-.Ltmp12, $2  }
0x183: {  	_ =	sdelay $0x2  }
0x184: {  	s13 =	sadd.s32 $0x50, s13  }
.LBB2_20:
0x185: {  	s12 =	smul.u32 $0x50, s5;
	_ =	sdelay $0x1  }
0x186: {  	s14 =	sadd.s32 s12, s22  }
0x187: {  	p0 =	sgt.u32 s14, $0x270F  }
.Ltmp13:
0x188: {  	_ = 	snop;
	(pc) =	sbr.rel @p0 .LBB2_24-.Ltmp13, $1  }
0x189: {  	_ =	sdelay $0x3  }
0x18a: {  	s12 =	sadd.s32 $0x0, s13  }
0x18b: {  	v10 =	vmov s12;
	_ =	sdelay $0x4  }
0x18c: {  	v10 =	vld.idx.msk [tilespmem:v10+s4+$0x0], $0xffff;
	_ =	sdelay $0x4  }
0x18d: {  	v11 =	vmul.f32 v10, v7  }
0x18e: {  	v12 =	vmul.f32 v10, v8  }
0x18f: {  	v13 =	vmul.f32 v10, v9;
	v10 =	vmul.f32 v10, v6;
	v11 =	vadd.f32 v11, v2  }
0x190: {  	s21 =	sadd.s32 $0x1, s13;
	v12 =	vadd.f32 v12, v3  }
0x191: {  	s15 =	simm.s32 $0x13D40;
	v14 =	vmov s21;
	v10 =	vadd.f32 v10, v5;
	v11 =	vmax.f32 v11, $0.0e+00  }
0x192: {  	v13 =	vadd.f32 v13, v4;
	v12 =	vmax.f32 v12, $0.0e+00;
	[tilespmem:s15+$0xFFFFFFE0] =	vst v11  }
0x193: {  	v10 =	vmax.f32 v10, $0.0e+00;
	[tilespmem:s15+$0xFFFFFFF0] =	vst v12  }
0x194: {  	v11 =	vmax.f32 v13, $0.0e+00;
	[tilespmem:s15+$0x10] =	vst v10  }
0x195: {  	[tilespmem:s15+$0x0] =	vst v11  }
0x196: {  	v10 =	vld.idx.msk [tilespmem:v14+s4+$0x0], $0xffff;
	_ =	sdelay $0x4  }
0x197: {  	v11 =	vmul.f32 v10, v7;
	v13 =	vmul.f32 v10, v8  }
0x198: {  	v14 =	vmul.f32 v10, v9;
	v15 =	vmul.f32 v10, v6  }
0x199: {  	v12 =	vadd.f32 v11, v2;
	v10 =	vadd.f32 v13, v3  }
0x19a: {  	s18 =	sadd.s32 $0x2, s13;
	s12 =	simm.s32 $0x3;
	v13 =	vadd.f32 v14, v4;
	v11 =	vadd.f32 v15, v5  }
.LBB2_22:
0x19b: {  	p0 =	sne.s32 s12, $0x4F;
	v14 =	vmov s18;
	v12 =	vmax.f32 v12, $0.0e+00;
	v10 =	vmax.f32 v10, $0.0e+00;
	s15 =	sadd.s32 $0x40, s15  }
0x19c: {  	[tilespmem:s15+$0xFFFFFFE0] =	vst v12;
	v12 =	vmax.f32 v13, $0.0e+00;
	v11 =	vmax.f32 v11, $0.0e+00  }
0x19d: {  	[tilespmem:s15+$0xFFFFFFF0] =	vst v10  }
0x19e: {  	[tilespmem:s15+$0x0] =	vst v12  }
0x19f: {  	[tilespmem:s15+$0x10] =	vst v11  }
0x1a0: {  	v10 =	vld.idx.msk [tilespmem:v14+s4+$0x0], $0xffff;
	_ =	sdelay $0x4  }
.Ltmp14:
0x1a1: {  	(pc) =	sbr.rel @p0 .LBB2_22-.Ltmp14, $4  }
0x1a2: {  	v11 =	vmul.f32 v10, v7;
	v13 =	vmul.f32 v10, v8  }
0x1a3: {  	v14 =	vmul.f32 v10, v9;
	v15 =	vmul.f32 v10, v6  }
0x1a4: {  	v12 =	vadd.f32 v11, v2;
	v10 =	vadd.f32 v13, v3  }
0x1a5: {  	s18 =	sadd.s32 s12, s13;
	s12 =	sadd.s32 $0x1, s12;
	v13 =	vadd.f32 v14, v4;
	v11 =	vadd.f32 v15, v5  }
0x1a6: {  	v14 =	vmov s18;
	v12 =	vmax.f32 v12, $0.0e+00;
	s12 =	sadd.s32 $0x40, s15  }
0x1a7: {  	v10 =	vmax.f32 v10, $0.0e+00;
	[tilespmem:s12+$0xFFFFFFE0] =	vst v12  }
0x1a8: {  	v61 =	vmax.f32 v13, $0.0e+00;
	[tilespmem:s12+$0xFFFFFFF0] =	vst v10  }
0x1a9: {  	v10 =	vmax.f32 v11, $0.0e+00;
	[tilespmem:s12+$0x0] =	vst v61  }
0x1aa: {  	[tilespmem:s12+$0x10] =	vst v10  }
0x1ab: {  	v10 =	vld.idx.msk [tilespmem:v14+s4+$0x0], $0xffff;
	_ =	sdelay $0x4  }
0x1ac: {  	v11 =	vmul.f32 v10, v7  }
0x1ad: {  	v62 =	vmul.f32 v10, v8  }
0x1ae: {  	v63 =	vmul.f32 v10, v9;
	v10 =	vmul.f32 v10, v6;
	v11 =	vadd.f32 v11, v2  }
0x1af: {  	v12 =	vadd.f32 v62, v3  }
0x1b0: {  	s12 =	sadd.s32 $0x40, s12;
	v10 =	vadd.f32 v10, v5;
	v11 =	vmax.f32 v11, $0.0e+00  }
0x1b1: {  	v13 =	vadd.f32 v63, v4;
	v12 =	vmax.f32 v12, $0.0e+00;
	[tilespmem:s12+$0xFFFFFFE0] =	vst v11  }
0x1b2: {  	v10 =	vmax.f32 v10, $0.0e+00;
	[tilespmem:s12+$0xFFFFFFF0] =	vst v12  }
0x1b3: {  	s14 =	sshll.u32 s14, $0x3;
	v11 =	vmax.f32 v13, $0.0e+00;
	[tilespmem:s12+$0x10] =	vst v10  }
.Ltmp15:
0x1b4: {  	s21 =	sadd.s32 s11, s14;
	[tilespmem:s12+$0x0] =	vst v11;
	(pc) =	sbr.rel .LBB2_24-.Ltmp15, $4  }
0x1b5: {  	[hbm4b:s21+s9] =	stream.linear.scatter [tilespmem:s8], [sflag:$0x5], $0x1400, $0x38;
	[tilespmem:$0x15DA0] =	vst v63  }
0x1b6: {  	_ =	swait.ge [sflag:s29], $0x1400  }
0x1b7: {  	[sflag:s29] =	ssyncset.done $0x0  }
0x1b8: {  	[sflag:s29] =	ssyncadd.s32 $0xFFFFEC00  }
.LBB2_26:
0x1b9: {  	_ =	sfence.sel $0x180000  }
0x1ba: {  	[bflag:$0x0] =	sbarrier.arrive $0xFFFF  }
0x1bb: {  	_ =	strace $0x90000047  }
0x1bc: {  	s0 =	stileid.u32;
	[bflag:$0x2] =	sbarrier.arrive $0xFFFF  }
0x1bd: {  	p0 =	sne.s32 s0, $0x0;
	s0 =	rddreg [dreg:$0x9]  }
0x1be: {  	s0 =	sadd.s32 @!p0 $0x100000, s0  }
0x1bf: {  	[sflag:s0] =	ssyncadd.tile.s32 @!p0 $0x1;
	_ =	shalt  }
.Lfunc_end2:
_tile_overlayer_lowered:
.L_overlay_start_2:
0x1c0: {  	(tag) =	ssettag $0x2  }
0x1c1: {  	s0 =	rddreg [dreg:$0x0];
	s2 =	stileid.u32  }
0x1c2: {  	s1 =	rddreg [dreg:$0x1];
	p0 =	sne.s32 s2, $0x0  }
0x1c3: {  	s3 =	rddreg [dreg:$0x2];
	[bflag:$0x3] =	sbarrier.arrive $0xFFFF;
	s2 =	simm.s32 @!p0 $0x1C05  }
0x1c4: {  	[timem:s3], [sflag:s2] =	dma.local @!p0 [hbm:s0], s1  }
0x1c5: {  	s0 =	simm.s32 @!p0 $0x5  }
0x1c6: {  	_ =	swait.ge @!p0 [sflag:s0], s1  }
0x1c7: {  	s1 =	ssub.s32 @!p0 $0x0, s1;
	[sflag:s0] =	ssyncset.done @!p0 $0x0  }
0x1c8: {  	[sflag:s0] =	ssyncadd.s32 @!p0 s1  }
0x1c9: {  	[bflag:$0x3] =	sbarrier.arrive $0xFFFF  }
0x1ca: {  	_ =	shalt  }

</sc_bundles>
